<compile_context>
chip_gen: v7x
topology: tpu7x:2x2x1
jax: 0.10.2.dev20260603
libtpu: 0.0.44.dev20260713+nightly
codegen_flags: <defaults>
</compile_context>

<pallas_src>
import functools

import jax
import jax.numpy as jnp
import numpy as np
from jax import lax
from jax.experimental import pallas as pl
from jax.experimental.pallas import tpu as pltpu
from jax.experimental.pallas import tpu_sc as plsc

_Z = np.arange(87)
_D3_HARDNESSES = (0.15 + 0.35 * np.abs(np.sin(0.37 * _Z + 0.2))).astype(np.float32)
_D3_VDW_RADII = (1.2 + 2.5 * np.abs(np.cos(0.23 * _Z + 0.1))).astype(np.float32)
_ETA_TABLE_NP = (_D3_HARDNESSES + (2.0 / np.pi) ** 0.5 / _D3_VDW_RADII).astype(np.float32)

N_ATOMS = 100_000
NSYS = 1024

NW = 16
ROW = 128
KPW = 49
CPW = KPW * ROW
N_PAD = NW * CPW
NROWS = N_PAD // ROW
SEG_PAD = 1040
ETA_PAD = 96


def _sc_body(q_hbm, sp_hbm, b_hbm, tc_hbm, eta_hbm,
             qf_hbm, dq_hbm, ec_hbm,
             q2d, sp2d, b2d, s2d, eta2d, qf2d, ec2d,
             eta_tab, f_tab, zbuf, qtot_loc, ssum_loc, tc_loc, dq_buf,
             qtot_sh, ssum_sh, f_sh):
  w = lax.axis_index("s")

  @pl.when(w == 0)
  def _():
    zero = jnp.zeros((16,), jnp.float32)
    def zinit(g, _):
      zbuf[pl.ds(g * 16, 16)] = zero
      return ()
    lax.fori_loop(0, SEG_PAD // 16, zinit, ())
    pltpu.sync_copy(zbuf, qtot_sh)
    pltpu.sync_copy(zbuf, ssum_sh)

  row0 = w * KPW
  pltpu.sync_copy(q_hbm.at[pl.ds(row0, KPW)], q2d)
  pltpu.sync_copy(sp_hbm.at[pl.ds(row0, KPW)], sp2d)
  pltpu.sync_copy(b_hbm.at[pl.ds(row0, KPW)], b2d)
  pltpu.sync_copy(eta_hbm, eta_tab)

  def s_row(j, _):
    def s_grp(l, _):
      sp = sp2d[j, pl.ds(l * 16, 16)]
      eta = plsc.load_gather(eta_tab, [sp])
      s = 1.0 / (1e-6 + 2.0 * jnp.abs(eta))
      eta2d[j, pl.ds(l * 16, 16)] = eta
      s2d[j, pl.ds(l * 16, 16)] = s
      return ()
    lax.fori_loop(0, ROW // 16, s_grp, ())
    return ()
  lax.fori_loop(0, KPW, s_row, ())

  plsc.subcore_barrier()

  def sc_row(j, _):
    pltpu.sync_copy(q2d.at[j], qtot_sh.at[b2d.at[j]], add=True)
    pltpu.sync_copy(s2d.at[j], ssum_sh.at[b2d.at[j]], add=True)
    return ()
  lax.fori_loop(0, KPW, sc_row, ())

  plsc.subcore_barrier()

  @pl.when(w == 0)
  def _():
    pltpu.sync_copy(qtot_sh, qtot_loc)
    pltpu.sync_copy(ssum_sh, ssum_loc)
    pltpu.sync_copy(tc_hbm, tc_loc)
    def f_grp(g, _):
      sl = pl.ds(g * 16, 16)
      dqv = tc_loc[sl] - qtot_loc[sl]
      dq_buf[sl] = dqv
      qtot_loc[sl] = dqv / ssum_loc[sl]
      return ()
    lax.fori_loop(0, NSYS // 16, f_grp, ())
    zero = jnp.zeros((16,), jnp.float32)
    def f_pad(g, _):
      qtot_loc[pl.ds(NSYS + g * 16, 16)] = zero
      return ()
    lax.fori_loop(0, (SEG_PAD - NSYS) // 16, f_pad, ())
    pltpu.sync_copy(dq_buf, dq_hbm)
    pltpu.sync_copy(qtot_loc, f_sh)

  plsc.subcore_barrier()

  pltpu.sync_copy(f_sh, f_tab)
  def o_row(j, _):
    def o_grp(l, _):
      sl = pl.ds(l * 16, 16)
      b = b2d[j, sl]
      fv = plsc.load_gather(f_tab, [b])
      dqa = s2d[j, sl] * fv
      qf2d[j, sl] = q2d[j, sl] + dqa
      ec2d[j, sl] = 0.5 * eta2d[j, sl] * dqa * dqa
      return ()
    lax.fori_loop(0, ROW // 16, o_grp, ())
    return ()
  lax.fori_loop(0, KPW, o_row, ())

  pltpu.sync_copy(qf2d, qf_hbm.at[pl.ds(row0, KPW)])
  pltpu.sync_copy(ec2d, ec_hbm.at[pl.ds(row0, KPW)])


@functools.partial(jax.jit, static_argnames=())
def _run(q_pad, sp_pad, b_pad, total_charge, eta_tab):
  mesh = plsc.VectorSubcoreMesh(
      core_axis_name="c", subcore_axis_name="s", num_cores=1)
  f32 = jnp.float32
  kern = pl.kernel(
      _sc_body,
      out_type=(
          jax.ShapeDtypeStruct((NROWS, ROW), f32),
          jax.ShapeDtypeStruct((NSYS,), f32),
          jax.ShapeDtypeStruct((NROWS, ROW), f32),
      ),
      mesh=mesh,
      compiler_params=pltpu.CompilerParams(
          use_tc_tiling_on_sc=False, needs_layout_passes=False),
      scratch_types=(
          pltpu.VMEM((KPW, ROW), f32),
          pltpu.VMEM((KPW, ROW), jnp.int32),
          pltpu.VMEM((KPW, ROW), jnp.int32),
          pltpu.VMEM((KPW, ROW), f32),
          pltpu.VMEM((KPW, ROW), f32),
          pltpu.VMEM((KPW, ROW), f32),
          pltpu.VMEM((KPW, ROW), f32),
          pltpu.VMEM((ETA_PAD,), f32),
          pltpu.VMEM((SEG_PAD,), f32),
          pltpu.VMEM((SEG_PAD,), f32),
          pltpu.VMEM((SEG_PAD,), f32),
          pltpu.VMEM((SEG_PAD,), f32),
          pltpu.VMEM((NSYS,), f32),
          pltpu.VMEM((NSYS,), f32),
          pltpu.VMEM_SHARED((SEG_PAD,), f32),
          pltpu.VMEM_SHARED((SEG_PAD,), f32),
          pltpu.VMEM_SHARED((SEG_PAD,), f32),
      ),
  )
  return kern(q_pad, sp_pad, b_pad, total_charge, eta_tab)


def kernel(charges, species, batch_index, natoms, total_charge):
  del natoms
  n = charges.shape[0]
  pad = N_PAD - n
  q_pad = jnp.concatenate(
      [charges, jnp.zeros((pad,), charges.dtype)]).reshape(NROWS, ROW)
  sp_pad = jnp.concatenate(
      [species.astype(jnp.int32), jnp.zeros((pad,), jnp.int32)]
  ).reshape(NROWS, ROW)
  b_pad = jnp.concatenate(
      [batch_index.astype(jnp.int32),
       jnp.full((pad,), NSYS, jnp.int32)]).reshape(NROWS, ROW)
  eta_tab = jnp.concatenate(
      [jnp.asarray(_ETA_TABLE_NP),
       jnp.zeros((ETA_PAD - _ETA_TABLE_NP.shape[0],), jnp.float32)])
  qf2d, dq, ec2d = _run(q_pad, sp_pad, b_pad,
                        total_charge.astype(jnp.float32), eta_tab)
  qf = qf2d.reshape(-1)[:n]
  ec = ec2d.reshape(-1)[:n]
  return qf, dq, ec

# --- scband reference (transcript-rebuilt; emitter-appended) ---
"""Pipeline reference for scband-charge-correction-55198919688299 (READ-ONLY COPY).

The authoritative reference and input builder live on the scoring server;
editing this copy changes nothing except your own understanding.
"""

import jax, jax.numpy as jnp
import numpy as np

# Stand-in D3 element tables (original module pulls these from fennol constants;
# values here are deterministic per-element placeholders in realistic physical ranges).
_Z = np.arange(87)
D3_HARDNESSES = (0.15 + 0.35 * np.abs(np.sin(0.37 * _Z + 0.2))).astype(np.float32)
D3_VDW_RADII = (1.2 + 2.5 * np.abs(np.cos(0.23 * _Z + 0.1))).astype(np.float32)
ETA_TABLE = jnp.asarray(D3_HARDNESSES + (2.0 / np.pi) ** 0.5 / D3_VDW_RADII)
ENERGY_UNIT = 1.0  # au.get_multiplier('Ha') == 1.0

N_ATOMS = 100000
NSYS = 1024


def setup_inputs(seed: int = 0) -> dict:
    key = jax.random.key(seed)
    k1, k2, k3 = jax.random.split(key, 3)
    charges = jax.random.normal(k1, (N_ATOMS,), dtype=jnp.float32)
    species = jax.random.randint(k2, (N_ATOMS,), 0, 86)
    batch_index = jnp.sort(jax.random.randint(k3, (N_ATOMS,), 0, NSYS))
    natoms = jnp.ones((NSYS,), dtype=jnp.int32)
    total_charge = jnp.zeros((NSYS,), dtype=jnp.float32)
    return {
        'charges': charges,
        'species': species,
        'batch_index': batch_index,
        'natoms': natoms,
        'total_charge': total_charge,
    }


def reference(charges, species, batch_index, natoms, total_charge):
    nsys = natoms.shape[0]
    q = charges  # already 1-D, matches squeeze(..., -1) branch for [N,1]
    # per-system raw charge sum (segment reduce)
    qtot = jax.ops.segment_sum(q, batch_index, num_segments=nsys)
    Qtot = total_charge.astype(q.dtype)
    dq = Qtot - qtot
    # per-atom hardness gathered from element table (non-trainable branch)
    eta = ETA_TABLE[species]
    s = (1e-06 + 2.0 * jnp.abs(eta)) ** (-1)
    # per-system redistribution factor
    f = dq / jax.ops.segment_sum(s, batch_index, num_segments=nsys)
    qf = q + s * f[batch_index]
    ecorr = 0.5 * ENERGY_UNIT * eta * (qf - q) ** 2
    return qf, dq, ecorr

if __name__ == "__main__":
    import jax
    _d = setup_inputs()
    print(jax.jit(kernel)(*tuple(_d.values())))

</pallas_src>

<mosaic_0001>
#map = affine_map<(d0, d1) -> (0, 0)>
#map1 = affine_map<(d0, d1) -> (0)>
module attributes {stable_mosaic.version = 14 : i64} {
  func.func @_sc_body(%arg0: i32, %arg1: i32, %arg2: memref<784x128xf32, #tpu.memory_space<hbm>>, %arg3: memref<784x128xi32, #tpu.memory_space<hbm>>, %arg4: memref<784x128xi32, #tpu.memory_space<hbm>>, %arg5: memref<1024xf32, #tpu.memory_space<hbm>>, %arg6: memref<96xf32, #tpu.memory_space<hbm>>, %arg7: memref<784x128xf32, #tpu.memory_space<hbm>>, %arg8: memref<1024xf32, #tpu.memory_space<hbm>>, %arg9: memref<784x128xf32, #tpu.memory_space<hbm>>, %arg10: memref<49x128xf32, #tpu.memory_space<vmem>>, %arg11: memref<49x128xi32, #tpu.memory_space<vmem>>, %arg12: memref<49x128xi32, #tpu.memory_space<vmem>>, %arg13: memref<49x128xf32, #tpu.memory_space<vmem>>, %arg14: memref<49x128xf32, #tpu.memory_space<vmem>>, %arg15: memref<49x128xf32, #tpu.memory_space<vmem>>, %arg16: memref<49x128xf32, #tpu.memory_space<vmem>>, %arg17: memref<96xf32, #tpu.memory_space<vmem>>, %arg18: memref<1040xf32, #tpu.memory_space<vmem>>, %arg19: memref<1040xf32, #tpu.memory_space<vmem>>, %arg20: memref<1040xf32, #tpu.memory_space<vmem>>, %arg21: memref<1040xf32, #tpu.memory_space<vmem>>, %arg22: memref<1024xf32, #tpu.memory_space<vmem>>, %arg23: memref<1024xf32, #tpu.memory_space<vmem>>, %arg24: memref<1040xf32, #tpu.memory_space<vmem_shared>>, %arg25: memref<1040xf32, #tpu.memory_space<vmem_shared>>, %arg26: memref<1040xf32, #tpu.memory_space<vmem_shared>>) attributes {dimension_semantics = [#tpu.dimension_semantics<core_parallel>, #tpu.dimension_semantics<subcore_parallel>], iteration_bounds = array<i64: 1, 16>, scalar_prefetch = 0 : i64, scratch_operands = 17 : i64, tpu.core_type = #tpu.core_type<sc_vector_subcore>, window_params = [{transform_indices = #map}, {transform_indices = #map}, {transform_indices = #map}, {transform_indices = #map1}, {transform_indices = #map1}, {transform_indices = #map}, {transform_indices = #map1}, {transform_indices = #map}]} {
    %eq3A = arith.constant 0 : i32
    %eq3A_0 = arith.cmpi eq, %arg1, %eq3A : i32
    %convert_element_type3A = arith.extui %eq3A_0 : i1 to i32
    %cond3A = arith.constant 0 : i32
    %cond3A_1 = arith.cmpi ne, %convert_element_type3A, %cond3A : i32
    scf.if %cond3A_1 {
      %broadcast_in_dim3A = arith.constant 0.000000e+00 : f32
      %broadcast_in_dim3A_24 = vector.broadcast %broadcast_in_dim3A : f32 to vector<16xf32>
      %scan3A_25 = arith.constant 0 : i32
      %scan3A_26 = arith.constant 65 : i32
      %scan3A_27 = arith.addi %scan3A_25, %scan3A_26 : i32
      %scan3A_28 = arith.constant 1 : i32
      scf.for %scan3A_30 = %scan3A_25 to %scan3A_27 step %scan3A_28  : i32 {
        %mul3A_31 = arith.constant 16 : i32
        %mul3A_32 = arith.muli %scan3A_30, %mul3A_31 : i32
        %swap3A = arith.index_cast %mul3A_32 : i32 to index
        %swap3A_33 = tpu.vector_load %arg19[%swap3A] {strides = array<i32>} : memref<1040xf32, #tpu.memory_space<vmem>>, vector<16xf32>,
        tpu.vector_store %arg19[%swap3A], %broadcast_in_dim3A_24 {strides = array<i32>} : memref<1040xf32, #tpu.memory_space<vmem>>, vector<16xf32>,
      }
      %scan3A_29 = arith.constant 65 : i32
      "tpu.region"() ({
        %run_scoped3A = tpu.sem_alloc : memref<!tpu.dma_semaphore, #tpu.memory_space<semaphore_mem>>
        tpu.enqueue_dma source(%arg19 : memref<1040xf32, #tpu.memory_space<vmem>>) target(%arg24 : memref<1040xf32, #tpu.memory_space<vmem_shared>>) target_semaphore(%run_scoped3A : memref<!tpu.dma_semaphore, #tpu.memory_space<semaphore_mem>>)
        tpu.wait_dma2 semaphore(%run_scoped3A : memref<!tpu.dma_semaphore, #tpu.memory_space<semaphore_mem>>) src(%arg19 : memref<1040xf32, #tpu.memory_space<vmem>>) dst(%arg24 : memref<1040xf32, #tpu.memory_space<vmem_shared>>)
        tpu.yield
      }) : () -> ()
      "tpu.region"() ({
        %run_scoped3A = tpu.sem_alloc : memref<!tpu.dma_semaphore, #tpu.memory_space<semaphore_mem>>
        tpu.enqueue_dma source(%arg19 : memref<1040xf32, #tpu.memory_space<vmem>>) target(%arg25 : memref<1040xf32, #tpu.memory_space<vmem_shared>>) target_semaphore(%run_scoped3A : memref<!tpu.dma_semaphore, #tpu.memory_space<semaphore_mem>>)
        tpu.wait_dma2 semaphore(%run_scoped3A : memref<!tpu.dma_semaphore, #tpu.memory_space<semaphore_mem>>) src(%arg19 : memref<1040xf32, #tpu.memory_space<vmem>>) dst(%arg25 : memref<1040xf32, #tpu.memory_space<vmem_shared>>)
        tpu.yield
      }) : () -> ()
    } else {
    }
    %mul3A = arith.constant 49 : i32
    %mul3A_2 = arith.muli %arg1, %mul3A : i32
    "tpu.region"() ({
      %run_scoped3A = tpu.sem_alloc : memref<!tpu.dma_semaphore, #tpu.memory_space<semaphore_mem>>
      %dma_start3A = arith.constant 0 : i32
      %dma_start3A_24 = tpu.memref_slice %arg2[%mul3A_2, %dma_start3A] : memref<784x128xf32, #tpu.memory_space<hbm>> -> memref<49x128xf32, #tpu.memory_space<hbm>>
      %dma_start3A_25 = arith.constant 0 : i32
      %dma_start3A_26 = tpu.memref_slice %arg2[%mul3A_2, %dma_start3A_25] : memref<784x128xf32, #tpu.memory_space<hbm>> -> memref<49x128xf32, #tpu.memory_space<hbm>>
      tpu.enqueue_dma source(%dma_start3A_26 : memref<49x128xf32, #tpu.memory_space<hbm>>) target(%arg10 : memref<49x128xf32, #tpu.memory_space<vmem>>) target_semaphore(%run_scoped3A : memref<!tpu.dma_semaphore, #tpu.memory_space<semaphore_mem>>)
      %dma_wait3A = arith.constant 0 : i32
      %dma_wait3A_27 = tpu.memref_slice %arg2[%mul3A_2, %dma_wait3A] : memref<784x128xf32, #tpu.memory_space<hbm>> -> memref<49x128xf32, #tpu.memory_space<hbm>>
      %dma_wait3A_28 = arith.constant 0 : i32
      %dma_wait3A_29 = tpu.memref_slice %arg2[%mul3A_2, %dma_wait3A_28] : memref<784x128xf32, #tpu.memory_space<hbm>> -> memref<49x128xf32, #tpu.memory_space<hbm>>
      tpu.wait_dma2 semaphore(%run_scoped3A : memref<!tpu.dma_semaphore, #tpu.memory_space<semaphore_mem>>) src(%dma_wait3A_29 : memref<49x128xf32, #tpu.memory_space<hbm>>) dst(%arg10 : memref<49x128xf32, #tpu.memory_space<vmem>>)
      tpu.yield
    }) : () -> ()
    "tpu.region"() ({
      %run_scoped3A = tpu.sem_alloc : memref<!tpu.dma_semaphore, #tpu.memory_space<semaphore_mem>>
      %dma_start3A = arith.constant 0 : i32
      %dma_start3A_24 = tpu.memref_slice %arg3[%mul3A_2, %dma_start3A] : memref<784x128xi32, #tpu.memory_space<hbm>> -> memref<49x128xi32, #tpu.memory_space<hbm>>
      %dma_start3A_25 = arith.constant 0 : i32
      %dma_start3A_26 = tpu.memref_slice %arg3[%mul3A_2, %dma_start3A_25] : memref<784x128xi32, #tpu.memory_space<hbm>> -> memref<49x128xi32, #tpu.memory_space<hbm>>
      tpu.enqueue_dma source(%dma_start3A_26 : memref<49x128xi32, #tpu.memory_space<hbm>>) target(%arg11 : memref<49x128xi32, #tpu.memory_space<vmem>>) target_semaphore(%run_scoped3A : memref<!tpu.dma_semaphore, #tpu.memory_space<semaphore_mem>>)
      %dma_wait3A = arith.constant 0 : i32
      %dma_wait3A_27 = tpu.memref_slice %arg3[%mul3A_2, %dma_wait3A] : memref<784x128xi32, #tpu.memory_space<hbm>> -> memref<49x128xi32, #tpu.memory_space<hbm>>
      %dma_wait3A_28 = arith.constant 0 : i32
      %dma_wait3A_29 = tpu.memref_slice %arg3[%mul3A_2, %dma_wait3A_28] : memref<784x128xi32, #tpu.memory_space<hbm>> -> memref<49x128xi32, #tpu.memory_space<hbm>>
      tpu.wait_dma2 semaphore(%run_scoped3A : memref<!tpu.dma_semaphore, #tpu.memory_space<semaphore_mem>>) src(%dma_wait3A_29 : memref<49x128xi32, #tpu.memory_space<hbm>>) dst(%arg11 : memref<49x128xi32, #tpu.memory_space<vmem>>)
      tpu.yield
    }) : () -> ()
    "tpu.region"() ({
      %run_scoped3A = tpu.sem_alloc : memref<!tpu.dma_semaphore, #tpu.memory_space<semaphore_mem>>
      %dma_start3A = arith.constant 0 : i32
      %dma_start3A_24 = tpu.memref_slice %arg4[%mul3A_2, %dma_start3A] : memref<784x128xi32, #tpu.memory_space<hbm>> -> memref<49x128xi32, #tpu.memory_space<hbm>>
      %dma_start3A_25 = arith.constant 0 : i32
      %dma_start3A_26 = tpu.memref_slice %arg4[%mul3A_2, %dma_start3A_25] : memref<784x128xi32, #tpu.memory_space<hbm>> -> memref<49x128xi32, #tpu.memory_space<hbm>>
      tpu.enqueue_dma source(%dma_start3A_26 : memref<49x128xi32, #tpu.memory_space<hbm>>) target(%arg12 : memref<49x128xi32, #tpu.memory_space<vmem>>) target_semaphore(%run_scoped3A : memref<!tpu.dma_semaphore, #tpu.memory_space<semaphore_mem>>)
      %dma_wait3A = arith.constant 0 : i32
      %dma_wait3A_27 = tpu.memref_slice %arg4[%mul3A_2, %dma_wait3A] : memref<784x128xi32, #tpu.memory_space<hbm>> -> memref<49x128xi32, #tpu.memory_space<hbm>>
      %dma_wait3A_28 = arith.constant 0 : i32
      %dma_wait3A_29 = tpu.memref_slice %arg4[%mul3A_2, %dma_wait3A_28] : memref<784x128xi32, #tpu.memory_space<hbm>> -> memref<49x128xi32, #tpu.memory_space<hbm>>
      tpu.wait_dma2 semaphore(%run_scoped3A : memref<!tpu.dma_semaphore, #tpu.memory_space<semaphore_mem>>) src(%dma_wait3A_29 : memref<49x128xi32, #tpu.memory_space<hbm>>) dst(%arg12 : memref<49x128xi32, #tpu.memory_space<vmem>>)
      tpu.yield
    }) : () -> ()
    "tpu.region"() ({
      %run_scoped3A = tpu.sem_alloc : memref<!tpu.dma_semaphore, #tpu.memory_space<semaphore_mem>>
      tpu.enqueue_dma source(%arg6 : memref<96xf32, #tpu.memory_space<hbm>>) target(%arg17 : memref<96xf32, #tpu.memory_space<vmem>>) target_semaphore(%run_scoped3A : memref<!tpu.dma_semaphore, #tpu.memory_space<semaphore_mem>>)
      tpu.wait_dma2 semaphore(%run_scoped3A : memref<!tpu.dma_semaphore, #tpu.memory_space<semaphore_mem>>) src(%arg6 : memref<96xf32, #tpu.memory_space<hbm>>) dst(%arg17 : memref<96xf32, #tpu.memory_space<vmem>>)
      tpu.yield
    }) : () -> ()
    %scan3A = arith.constant 0 : i32
    %scan3A_3 = arith.constant 49 : i32
    %scan3A_4 = arith.addi %scan3A, %scan3A_3 : i32
    %scan3A_5 = arith.constant 1 : i32
    scf.for %scan3A_24 = %scan3A to %scan3A_4 step %scan3A_5  : i32 {
      %scan3A_25 = arith.constant 0 : i32
      %scan3A_26 = arith.constant 8 : i32
      %scan3A_27 = arith.addi %scan3A_25, %scan3A_26 : i32
      %scan3A_28 = arith.constant 1 : i32
      scf.for %scan3A_30 = %scan3A_25 to %scan3A_27 step %scan3A_28  : i32 {
        %mul3A_31 = arith.constant 16 : i32
        %mul3A_32 = arith.muli %scan3A_30, %mul3A_31 : i32
        %get3A = arith.index_cast %scan3A_24 : i32 to index
        %get3A_33 = arith.index_cast %mul3A_32 : i32 to index
        %get3A_34 = tpu.vector_load %arg11[%get3A, %get3A_33] {strides = array<i32>} : memref<49x128xi32, #tpu.memory_space<vmem>>, vector<16xi32>,
        %gather3A = tpu.vector_load_idx %arg17[%get3A_34] : memref<96xf32, #tpu.memory_space<vmem>>[vector<16xi32>], vector<16xf32>,
        %abs3A = math.absf %gather3A : vector<16xf32>
        %mul3A_35 = arith.constant 2.000000e+00 : f32
        %mul3A_36 = vector.broadcast %mul3A_35 : f32 to vector<16xf32>
        %mul3A_37 = arith.mulf %mul3A_36, %abs3A : vector<16xf32>
        %add3A = arith.constant 9.99999997E-7 : f32
        %add3A_38 = vector.broadcast %add3A : f32 to vector<16xf32>
        %add3A_39 = arith.addf %add3A_38, %mul3A_37 : vector<16xf32>
        %div3A = arith.constant 1.000000e+00 : f32
        %div3A_40 = vector.broadcast %div3A : f32 to vector<16xf32>
        %div3A_41 = arith.divf %div3A_40, %add3A_39 : vector<16xf32>
        %mul3A_42 = arith.constant 16 : i32
        %mul3A_43 = arith.muli %scan3A_30, %mul3A_42 : i32
        %swap3A = arith.index_cast %scan3A_24 : i32 to index
        %swap3A_44 = arith.index_cast %mul3A_43 : i32 to index
        %swap3A_45 = tpu.vector_load %arg14[%swap3A, %swap3A_44] {strides = array<i32>} : memref<49x128xf32, #tpu.memory_space<vmem>>, vector<16xf32>,
        tpu.vector_store %arg14[%swap3A, %swap3A_44], %gather3A {strides = array<i32>} : memref<49x128xf32, #tpu.memory_space<vmem>>, vector<16xf32>,
        %mul3A_46 = arith.constant 16 : i32
        %mul3A_47 = arith.muli %scan3A_30, %mul3A_46 : i32
        %swap3A_48 = arith.index_cast %scan3A_24 : i32 to index
        %swap3A_49 = arith.index_cast %mul3A_47 : i32 to index
        %swap3A_50 = tpu.vector_load %arg13[%swap3A_48, %swap3A_49] {strides = array<i32>} : memref<49x128xf32, #tpu.memory_space<vmem>>, vector<16xf32>,
        tpu.vector_store %arg13[%swap3A_48, %swap3A_49], %div3A_41 {strides = array<i32>} : memref<49x128xf32, #tpu.memory_space<vmem>>, vector<16xf32>,
      }
      %scan3A_29 = arith.constant 8 : i32
    }
    %scan3A_6 = arith.constant 49 : i32
    %barrier3A = arith.constant 0 : index
    tpu.barrier barrier_id(%barrier3A)
    %scan3A_7 = arith.constant 0 : i32
    %scan3A_8 = arith.constant 49 : i32
    %scan3A_9 = arith.addi %scan3A_7, %scan3A_8 : i32
    %scan3A_10 = arith.constant 1 : i32
    scf.for %scan3A_24 = %scan3A_7 to %scan3A_9 step %scan3A_10  : i32 {
      "tpu.region"() ({
        %run_scoped3A = tpu.sem_alloc : memref<!tpu.dma_semaphore, #tpu.memory_space<semaphore_mem>>
        %dma_start3A = arith.constant 0 : i32
        %dma_start3A_25 = tpu.memref_slice %arg10[%scan3A_24, %dma_start3A] : memref<49x128xf32, #tpu.memory_space<vmem>> -> memref<1x128xf32, #tpu.memory_space<vmem>>
        %dma_start3A_26 = tpu.memref_squeeze %dma_start3A_25 : memref<1x128xf32, #tpu.memory_space<vmem>> -> memref<128xf32, #tpu.memory_space<vmem>>
        %dma_start3A_27 = arith.constant 0 : i32
        %dma_start3A_28 = tpu.memref_slice %arg12[%scan3A_24, %dma_start3A_27] : memref<49x128xi32, #tpu.memory_space<vmem>> -> memref<1x128xi32, #tpu.memory_space<vmem>>
        %dma_start3A_29 = tpu.memref_squeeze %dma_start3A_28 : memref<1x128xi32, #tpu.memory_space<vmem>> -> memref<128xi32, #tpu.memory_space<vmem>>
        %dma_start3A_30 = arith.constant 0 : i32
        %dma_start3A_31 = tpu.memref_slice %arg24[%dma_start3A_30] : memref<1040xf32, #tpu.memory_space<vmem_shared>> -> memref<1040xf32, #tpu.memory_space<vmem_shared>>
        tpu.enqueue_indirect_dma source(%dma_start3A_26 : memref<128xf32, #tpu.memory_space<vmem>>) target(%dma_start3A_31 : memref<1040xf32, #tpu.memory_space<vmem_shared>>) offsets(%dma_start3A_29 : memref<128xi32, #tpu.memory_space<vmem>>) semaphore(%run_scoped3A : memref<!tpu.dma_semaphore, #tpu.memory_space<semaphore_mem>>) {add = true}
        %dma_wait3A = arith.constant 0 : i32
        %dma_wait3A_32 = tpu.memref_slice %arg10[%scan3A_24, %dma_wait3A] : memref<49x128xf32, #tpu.memory_space<vmem>> -> memref<1x128xf32, #tpu.memory_space<vmem>>
        %dma_wait3A_33 = tpu.memref_squeeze %dma_wait3A_32 : memref<1x128xf32, #tpu.memory_space<vmem>> -> memref<128xf32, #tpu.memory_space<vmem>>
        %dma_wait3A_34 = arith.constant 0 : i32
        %dma_wait3A_35 = tpu.memref_slice %arg12[%scan3A_24, %dma_wait3A_34] : memref<49x128xi32, #tpu.memory_space<vmem>> -> memref<1x128xi32, #tpu.memory_space<vmem>>
        %dma_wait3A_36 = tpu.memref_squeeze %dma_wait3A_35 : memref<1x128xi32, #tpu.memory_space<vmem>> -> memref<128xi32, #tpu.memory_space<vmem>>
        %dma_wait3A_37 = arith.constant 0 : i32
        %dma_wait3A_38 = tpu.memref_slice %arg24[%dma_wait3A_37] : memref<1040xf32, #tpu.memory_space<vmem_shared>> -> memref<1040xf32, #tpu.memory_space<vmem_shared>>
        tpu.wait_indirect_dma semaphore(%run_scoped3A : memref<!tpu.dma_semaphore, #tpu.memory_space<semaphore_mem>>) src(%dma_wait3A_33 : memref<128xf32, #tpu.memory_space<vmem>>) dst(%dma_wait3A_38 : memref<1040xf32, #tpu.memory_space<vmem_shared>>)
        tpu.yield
      }) : () -> ()
      "tpu.region"() ({
        %run_scoped3A = tpu.sem_alloc : memref<!tpu.dma_semaphore, #tpu.memory_space<semaphore_mem>>
        %dma_start3A = arith.constant 0 : i32
        %dma_start3A_25 = tpu.memref_slice %arg13[%scan3A_24, %dma_start3A] : memref<49x128xf32, #tpu.memory_space<vmem>> -> memref<1x128xf32, #tpu.memory_space<vmem>>
        %dma_start3A_26 = tpu.memref_squeeze %dma_start3A_25 : memref<1x128xf32, #tpu.memory_space<vmem>> -> memref<128xf32, #tpu.memory_space<vmem>>
        %dma_start3A_27 = arith.constant 0 : i32
        %dma_start3A_28 = tpu.memref_slice %arg12[%scan3A_24, %dma_start3A_27] : memref<49x128xi32, #tpu.memory_space<vmem>> -> memref<1x128xi32, #tpu.memory_space<vmem>>
        %dma_start3A_29 = tpu.memref_squeeze %dma_start3A_28 : memref<1x128xi32, #tpu.memory_space<vmem>> -> memref<128xi32, #tpu.memory_space<vmem>>
        %dma_start3A_30 = arith.constant 0 : i32
        %dma_start3A_31 = tpu.memref_slice %arg25[%dma_start3A_30] : memref<1040xf32, #tpu.memory_space<vmem_shared>> -> memref<1040xf32, #tpu.memory_space<vmem_shared>>
        tpu.enqueue_indirect_dma source(%dma_start3A_26 : memref<128xf32, #tpu.memory_space<vmem>>) target(%dma_start3A_31 : memref<1040xf32, #tpu.memory_space<vmem_shared>>) offsets(%dma_start3A_29 : memref<128xi32, #tpu.memory_space<vmem>>) semaphore(%run_scoped3A : memref<!tpu.dma_semaphore, #tpu.memory_space<semaphore_mem>>) {add = true}
        %dma_wait3A = arith.constant 0 : i32
        %dma_wait3A_32 = tpu.memref_slice %arg13[%scan3A_24, %dma_wait3A] : memref<49x128xf32, #tpu.memory_space<vmem>> -> memref<1x128xf32, #tpu.memory_space<vmem>>
        %dma_wait3A_33 = tpu.memref_squeeze %dma_wait3A_32 : memref<1x128xf32, #tpu.memory_space<vmem>> -> memref<128xf32, #tpu.memory_space<vmem>>
        %dma_wait3A_34 = arith.constant 0 : i32
        %dma_wait3A_35 = tpu.memref_slice %arg12[%scan3A_24, %dma_wait3A_34] : memref<49x128xi32, #tpu.memory_space<vmem>> -> memref<1x128xi32, #tpu.memory_space<vmem>>
        %dma_wait3A_36 = tpu.memref_squeeze %dma_wait3A_35 : memref<1x128xi32, #tpu.memory_space<vmem>> -> memref<128xi32, #tpu.memory_space<vmem>>
        %dma_wait3A_37 = arith.constant 0 : i32
        %dma_wait3A_38 = tpu.memref_slice %arg25[%dma_wait3A_37] : memref<1040xf32, #tpu.memory_space<vmem_shared>> -> memref<1040xf32, #tpu.memory_space<vmem_shared>>
        tpu.wait_indirect_dma semaphore(%run_scoped3A : memref<!tpu.dma_semaphore, #tpu.memory_space<semaphore_mem>>) src(%dma_wait3A_33 : memref<128xf32, #tpu.memory_space<vmem>>) dst(%dma_wait3A_38 : memref<1040xf32, #tpu.memory_space<vmem_shared>>)
        tpu.yield
      }) : () -> ()
    }
    %scan3A_11 = arith.constant 49 : i32
    %barrier3A_12 = arith.constant 0 : index
    tpu.barrier barrier_id(%barrier3A_12)
    %eq3A_13 = arith.constant 0 : i32
    %eq3A_14 = arith.cmpi eq, %arg1, %eq3A_13 : i32
    %convert_element_type3A_15 = arith.extui %eq3A_14 : i1 to i32
    %cond3A_16 = arith.constant 0 : i32
    %cond3A_17 = arith.cmpi ne, %convert_element_type3A_15, %cond3A_16 : i32
    scf.if %cond3A_17 {
      "tpu.region"() ({
        %run_scoped3A = tpu.sem_alloc : memref<!tpu.dma_semaphore, #tpu.memory_space<semaphore_mem>>
        tpu.enqueue_dma source(%arg24 : memref<1040xf32, #tpu.memory_space<vmem_shared>>) target(%arg20 : memref<1040xf32, #tpu.memory_space<vmem>>) target_semaphore(%run_scoped3A : memref<!tpu.dma_semaphore, #tpu.memory_space<semaphore_mem>>)
        tpu.wait_dma2 semaphore(%run_scoped3A : memref<!tpu.dma_semaphore, #tpu.memory_space<semaphore_mem>>) src(%arg24 : memref<1040xf32, #tpu.memory_space<vmem_shared>>) dst(%arg20 : memref<1040xf32, #tpu.memory_space<vmem>>)
        tpu.yield
      }) : () -> ()
      "tpu.region"() ({
        %run_scoped3A = tpu.sem_alloc : memref<!tpu.dma_semaphore, #tpu.memory_space<semaphore_mem>>
        tpu.enqueue_dma source(%arg25 : memref<1040xf32, #tpu.memory_space<vmem_shared>>) target(%arg21 : memref<1040xf32, #tpu.memory_space<vmem>>) target_semaphore(%run_scoped3A : memref<!tpu.dma_semaphore, #tpu.memory_space<semaphore_mem>>)
        tpu.wait_dma2 semaphore(%run_scoped3A : memref<!tpu.dma_semaphore, #tpu.memory_space<semaphore_mem>>) src(%arg25 : memref<1040xf32, #tpu.memory_space<vmem_shared>>) dst(%arg21 : memref<1040xf32, #tpu.memory_space<vmem>>)
        tpu.yield
      }) : () -> ()
      "tpu.region"() ({
        %run_scoped3A = tpu.sem_alloc : memref<!tpu.dma_semaphore, #tpu.memory_space<semaphore_mem>>
        tpu.enqueue_dma source(%arg5 : memref<1024xf32, #tpu.memory_space<hbm>>) target(%arg22 : memref<1024xf32, #tpu.memory_space<vmem>>) target_semaphore(%run_scoped3A : memref<!tpu.dma_semaphore, #tpu.memory_space<semaphore_mem>>)
        tpu.wait_dma2 semaphore(%run_scoped3A : memref<!tpu.dma_semaphore, #tpu.memory_space<semaphore_mem>>) src(%arg5 : memref<1024xf32, #tpu.memory_space<hbm>>) dst(%arg22 : memref<1024xf32, #tpu.memory_space<vmem>>)
        tpu.yield
      }) : () -> ()
      %scan3A_24 = arith.constant 0 : i32
      %scan3A_25 = arith.constant 64 : i32
      %scan3A_26 = arith.addi %scan3A_24, %scan3A_25 : i32
      %scan3A_27 = arith.constant 1 : i32
      scf.for %scan3A_36 = %scan3A_24 to %scan3A_26 step %scan3A_27  : i32 {
        %mul3A_37 = arith.constant 16 : i32
        %mul3A_38 = arith.muli %scan3A_36, %mul3A_37 : i32
        %get3A = arith.index_cast %mul3A_38 : i32 to index
        %get3A_39 = tpu.vector_load %arg22[%get3A] {strides = array<i32>} : memref<1024xf32, #tpu.memory_space<vmem>>, vector<16xf32>,
        %get3A_40 = arith.index_cast %mul3A_38 : i32 to index
        %get3A_41 = tpu.vector_load %arg20[%get3A_40] {strides = array<i32>} : memref<1040xf32, #tpu.memory_space<vmem>>, vector<16xf32>,
        %sub3A = arith.subf %get3A_39, %get3A_41 : vector<16xf32>
        %swap3A_42 = arith.index_cast %mul3A_38 : i32 to index
        %swap3A_43 = tpu.vector_load %arg23[%swap3A_42] {strides = array<i32>} : memref<1024xf32, #tpu.memory_space<vmem>>, vector<16xf32>,
        tpu.vector_store %arg23[%swap3A_42], %sub3A {strides = array<i32>} : memref<1024xf32, #tpu.memory_space<vmem>>, vector<16xf32>,
        %get3A_44 = arith.index_cast %mul3A_38 : i32 to index
        %get3A_45 = tpu.vector_load %arg21[%get3A_44] {strides = array<i32>} : memref<1040xf32, #tpu.memory_space<vmem>>, vector<16xf32>,
        %div3A = arith.divf %sub3A, %get3A_45 : vector<16xf32>
        %swap3A_46 = arith.index_cast %mul3A_38 : i32 to index
        %swap3A_47 = tpu.vector_load %arg20[%swap3A_46] {strides = array<i32>} : memref<1040xf32, #tpu.memory_space<vmem>>, vector<16xf32>,
        tpu.vector_store %arg20[%swap3A_46], %div3A {strides = array<i32>} : memref<1040xf32, #tpu.memory_space<vmem>>, vector<16xf32>,
      }
      %scan3A_28 = arith.constant 64 : i32
      %broadcast_in_dim3A = arith.constant 0.000000e+00 : f32
      %broadcast_in_dim3A_29 = vector.broadcast %broadcast_in_dim3A : f32 to vector<16xf32>
      %scan3A_30 = arith.constant 0 : i32
      %mul3A_31 = arith.constant 16 : i32
      %mul3A_32 = arith.muli %scan3A_30, %mul3A_31 : i32
      %add3A = arith.constant 1024 : i32
      %add3A_33 = arith.addi %add3A, %mul3A_32 : i32
      %swap3A = arith.index_cast %add3A_33 : i32 to index
      %swap3A_34 = tpu.vector_load %arg20[%swap3A] {strides = array<i32>} : memref<1040xf32, #tpu.memory_space<vmem>>, vector<16xf32>,
      tpu.vector_store %arg20[%swap3A], %broadcast_in_dim3A_29 {strides = array<i32>} : memref<1040xf32, #tpu.memory_space<vmem>>, vector<16xf32>,
      %scan3A_35 = arith.constant 1 : i32
      "tpu.region"() ({
        %run_scoped3A = tpu.sem_alloc : memref<!tpu.dma_semaphore, #tpu.memory_space<semaphore_mem>>
        tpu.enqueue_dma source(%arg23 : memref<1024xf32, #tpu.memory_space<vmem>>) target(%arg8 : memref<1024xf32, #tpu.memory_space<hbm>>) target_semaphore(%run_scoped3A : memref<!tpu.dma_semaphore, #tpu.memory_space<semaphore_mem>>)
        tpu.wait_dma2 semaphore(%run_scoped3A : memref<!tpu.dma_semaphore, #tpu.memory_space<semaphore_mem>>) src(%arg23 : memref<1024xf32, #tpu.memory_space<vmem>>) dst(%arg8 : memref<1024xf32, #tpu.memory_space<hbm>>)
        tpu.yield
      }) : () -> ()
      "tpu.region"() ({
        %run_scoped3A = tpu.sem_alloc : memref<!tpu.dma_semaphore, #tpu.memory_space<semaphore_mem>>
        tpu.enqueue_dma source(%arg20 : memref<1040xf32, #tpu.memory_space<vmem>>) target(%arg26 : memref<1040xf32, #tpu.memory_space<vmem_shared>>) target_semaphore(%run_scoped3A : memref<!tpu.dma_semaphore, #tpu.memory_space<semaphore_mem>>)
        tpu.wait_dma2 semaphore(%run_scoped3A : memref<!tpu.dma_semaphore, #tpu.memory_space<semaphore_mem>>) src(%arg20 : memref<1040xf32, #tpu.memory_space<vmem>>) dst(%arg26 : memref<1040xf32, #tpu.memory_space<vmem_shared>>)
        tpu.yield
      }) : () -> ()
    } else {
    }
    %barrier3A_18 = arith.constant 0 : index
    tpu.barrier barrier_id(%barrier3A_18)
    "tpu.region"() ({
      %run_scoped3A = tpu.sem_alloc : memref<!tpu.dma_semaphore, #tpu.memory_space<semaphore_mem>>
      tpu.enqueue_dma source(%arg26 : memref<1040xf32, #tpu.memory_space<vmem_shared>>) target(%arg18 : memref<1040xf32, #tpu.memory_space<vmem>>) target_semaphore(%run_scoped3A : memref<!tpu.dma_semaphore, #tpu.memory_space<semaphore_mem>>)
      tpu.wait_dma2 semaphore(%run_scoped3A : memref<!tpu.dma_semaphore, #tpu.memory_space<semaphore_mem>>) src(%arg26 : memref<1040xf32, #tpu.memory_space<vmem_shared>>) dst(%arg18 : memref<1040xf32, #tpu.memory_space<vmem>>)
      tpu.yield
    }) : () -> ()
    %scan3A_19 = arith.constant 0 : i32
    %scan3A_20 = arith.constant 49 : i32
    %scan3A_21 = arith.addi %scan3A_19, %scan3A_20 : i32
    %scan3A_22 = arith.constant 1 : i32
    scf.for %scan3A_24 = %scan3A_19 to %scan3A_21 step %scan3A_22  : i32 {
      %scan3A_25 = arith.constant 0 : i32
      %scan3A_26 = arith.constant 8 : i32
      %scan3A_27 = arith.addi %scan3A_25, %scan3A_26 : i32
      %scan3A_28 = arith.constant 1 : i32
      scf.for %scan3A_30 = %scan3A_25 to %scan3A_27 step %scan3A_28  : i32 {
        %mul3A_31 = arith.constant 16 : i32
        %mul3A_32 = arith.muli %scan3A_30, %mul3A_31 : i32
        %get3A = arith.index_cast %scan3A_24 : i32 to index
        %get3A_33 = arith.index_cast %mul3A_32 : i32 to index
        %get3A_34 = tpu.vector_load %arg12[%get3A, %get3A_33] {strides = array<i32>} : memref<49x128xi32, #tpu.memory_space<vmem>>, vector<16xi32>,
        %gather3A = tpu.vector_load_idx %arg18[%get3A_34] : memref<1040xf32, #tpu.memory_space<vmem>>[vector<16xi32>], vector<16xf32>,
        %get3A_35 = arith.index_cast %scan3A_24 : i32 to index
        %get3A_36 = arith.index_cast %mul3A_32 : i32 to index
        %get3A_37 = tpu.vector_load %arg13[%get3A_35, %get3A_36] {strides = array<i32>} : memref<49x128xf32, #tpu.memory_space<vmem>>, vector<16xf32>,
        %mul3A_38 = arith.mulf %get3A_37, %gather3A : vector<16xf32>
        %get3A_39 = arith.index_cast %scan3A_24 : i32 to index
        %get3A_40 = arith.index_cast %mul3A_32 : i32 to index
        %get3A_41 = tpu.vector_load %arg10[%get3A_39, %get3A_40] {strides = array<i32>} : memref<49x128xf32, #tpu.memory_space<vmem>>, vector<16xf32>,
        %add3A = arith.addf %get3A_41, %mul3A_38 : vector<16xf32>
        %swap3A = arith.index_cast %scan3A_24 : i32 to index
        %swap3A_42 = arith.index_cast %mul3A_32 : i32 to index
        %swap3A_43 = tpu.vector_load %arg15[%swap3A, %swap3A_42] {strides = array<i32>} : memref<49x128xf32, #tpu.memory_space<vmem>>, vector<16xf32>,
        tpu.vector_store %arg15[%swap3A, %swap3A_42], %add3A {strides = array<i32>} : memref<49x128xf32, #tpu.memory_space<vmem>>, vector<16xf32>,
        %get3A_44 = arith.index_cast %scan3A_24 : i32 to index
        %get3A_45 = arith.index_cast %mul3A_32 : i32 to index
        %get3A_46 = tpu.vector_load %arg14[%get3A_44, %get3A_45] {strides = array<i32>} : memref<49x128xf32, #tpu.memory_space<vmem>>, vector<16xf32>,
        %mul3A_47 = arith.constant 5.000000e-01 : f32
        %mul3A_48 = vector.broadcast %mul3A_47 : f32 to vector<16xf32>
        %mul3A_49 = arith.mulf %mul3A_48, %get3A_46 : vector<16xf32>
        %mul3A_50 = arith.mulf %mul3A_49, %mul3A_38 : vector<16xf32>
        %mul3A_51 = arith.mulf %mul3A_50, %mul3A_38 : vector<16xf32>
        %swap3A_52 = arith.index_cast %scan3A_24 : i32 to index
        %swap3A_53 = arith.index_cast %mul3A_32 : i32 to index
        %swap3A_54 = tpu.vector_load %arg16[%swap3A_52, %swap3A_53] {strides = array<i32>} : memref<49x128xf32, #tpu.memory_space<vmem>>, vector<16xf32>,
        tpu.vector_store %arg16[%swap3A_52, %swap3A_53], %mul3A_51 {strides = array<i32>} : memref<49x128xf32, #tpu.memory_space<vmem>>, vector<16xf32>,
      }
      %scan3A_29 = arith.constant 8 : i32
    }
    %scan3A_23 = arith.constant 49 : i32
    "tpu.region"() ({
      %run_scoped3A = tpu.sem_alloc : memref<!tpu.dma_semaphore, #tpu.memory_space<semaphore_mem>>
      %dma_start3A = arith.constant 0 : i32
      %dma_start3A_24 = tpu.memref_slice %arg7[%mul3A_2, %dma_start3A] : memref<784x128xf32, #tpu.memory_space<hbm>> -> memref<49x128xf32, #tpu.memory_space<hbm>>
      %dma_start3A_25 = arith.constant 0 : i32
      %dma_start3A_26 = tpu.memref_slice %arg7[%mul3A_2, %dma_start3A_25] : memref<784x128xf32, #tpu.memory_space<hbm>> -> memref<49x128xf32, #tpu.memory_space<hbm>>
      tpu.enqueue_dma source(%arg15 : memref<49x128xf32, #tpu.memory_space<vmem>>) target(%dma_start3A_26 : memref<49x128xf32, #tpu.memory_space<hbm>>) target_semaphore(%run_scoped3A : memref<!tpu.dma_semaphore, #tpu.memory_space<semaphore_mem>>)
      %dma_wait3A = arith.constant 0 : i32
      %dma_wait3A_27 = tpu.memref_slice %arg7[%mul3A_2, %dma_wait3A] : memref<784x128xf32, #tpu.memory_space<hbm>> -> memref<49x128xf32, #tpu.memory_space<hbm>>
      %dma_wait3A_28 = arith.constant 0 : i32
      %dma_wait3A_29 = tpu.memref_slice %arg7[%mul3A_2, %dma_wait3A_28] : memref<784x128xf32, #tpu.memory_space<hbm>> -> memref<49x128xf32, #tpu.memory_space<hbm>>
      tpu.wait_dma2 semaphore(%run_scoped3A : memref<!tpu.dma_semaphore, #tpu.memory_space<semaphore_mem>>) src(%arg15 : memref<49x128xf32, #tpu.memory_space<vmem>>) dst(%dma_wait3A_29 : memref<49x128xf32, #tpu.memory_space<hbm>>)
      tpu.yield
    }) : () -> ()
    "tpu.region"() ({
      %run_scoped3A = tpu.sem_alloc : memref<!tpu.dma_semaphore, #tpu.memory_space<semaphore_mem>>
      %dma_start3A = arith.constant 0 : i32
      %dma_start3A_24 = tpu.memref_slice %arg9[%mul3A_2, %dma_start3A] : memref<784x128xf32, #tpu.memory_space<hbm>> -> memref<49x128xf32, #tpu.memory_space<hbm>>
      %dma_start3A_25 = arith.constant 0 : i32
      %dma_start3A_26 = tpu.memref_slice %arg9[%mul3A_2, %dma_start3A_25] : memref<784x128xf32, #tpu.memory_space<hbm>> -> memref<49x128xf32, #tpu.memory_space<hbm>>
      tpu.enqueue_dma source(%arg16 : memref<49x128xf32, #tpu.memory_space<vmem>>) target(%dma_start3A_26 : memref<49x128xf32, #tpu.memory_space<hbm>>) target_semaphore(%run_scoped3A : memref<!tpu.dma_semaphore, #tpu.memory_space<semaphore_mem>>)
      %dma_wait3A = arith.constant 0 : i32
      %dma_wait3A_27 = tpu.memref_slice %arg9[%mul3A_2, %dma_wait3A] : memref<784x128xf32, #tpu.memory_space<hbm>> -> memref<49x128xf32, #tpu.memory_space<hbm>>
      %dma_wait3A_28 = arith.constant 0 : i32
      %dma_wait3A_29 = tpu.memref_slice %arg9[%mul3A_2, %dma_wait3A_28] : memref<784x128xf32, #tpu.memory_space<hbm>> -> memref<49x128xf32, #tpu.memory_space<hbm>>
      tpu.wait_dma2 semaphore(%run_scoped3A : memref<!tpu.dma_semaphore, #tpu.memory_space<semaphore_mem>>) src(%arg16 : memref<49x128xf32, #tpu.memory_space<vmem>>) dst(%dma_wait3A_29 : memref<49x128xf32, #tpu.memory_space<hbm>>)
      tpu.yield
    }) : () -> ()
    return
  }
}

</mosaic_0001>

<sc_bundles>
// kernel: _run.3.cloned.1.call-start
scs
__scs_entry_jumppad:
0x0: {  	(pc) =	sbr.rel $0x88, $3  }
0x1: {  	(tag) =	ssettag $0x0;
	lr =	simm.s32 $0x1  }
0x2: {  	[smem:$0x3F9C] =	sst lr;
	_ =	strace $0xD0000000  }
0x3: {  	_ = 	snop  }
0x4: {  	_ = 	snop  }
0x5: {  	_ = 	snop  }
0x6: {  	_ = 	snop  }
0x7: {  	_ = 	snop  }
__scs_overlays_trampoline_lowered:
0x8: {  	[smem:$0x3FAB] =	sst s0  }
0x9: {  	[smem:$0x3FAC] =	sst s1  }
0xa: {  	[smem:$0x3FAD] =	sst s2  }
0xb: {  	[smem:$0x3FAE] =	sst s3  }
0xc: {  	[smem:$0x3FAF] =	sst s4  }
0xd: {  	[smem:$0x3FB0] =	sst s5  }
0xe: {  	[smem:$0x3FB1] =	sst s6  }
0xf: {  	[smem:$0x3FB2] =	sst s7  }
0x10: {  	[smem:$0x3FB3] =	sst s8  }
0x11: {  	[smem:$0x3FB4] =	sst s9;
	s0 =	simm.s32 @!p0 $0x0  }
0x12: {  	s1 =	sld [smem:$0x3F9A];
	s0 =	simm.s32 @p0 $0x1  }
0x13: {  	[smem:$0x3FB5] =	sst s0;
	s0 =	simm.s32 @!p1 $0x0  }
0x14: {  	s2 =	sld [smem:$0x3F99];
	s0 =	simm.s32 @p1 $0x1  }
0x15: {  	[smem:$0x3FB6] =	sst s0;
	s0 =	simm.s32 @!p2 $0x0  }
0x16: {  	s3 =	sld [smem:$0x3FDB];
	s0 =	simm.s32 @p2 $0x1  }
0x17: {  	s4 =	simm.s32 $0x1BF5;
	[smem:$0x3FB8] =	sst s0  }
0x18: {  	s0 =	sld [smem:$0x3F9B];
	_ =	swait.ge [sflag:s4], $0x0  }
0x19: {  	s7 =	sld [smem:$0x3F9C]  }
0x1a: {  	s8 =	sadd.s32 $0xFFFFE003, lr  }
0x1b: {  	s9 =	sadd.s32 $0xFFFFFEF7, lr;
	s5 =	simm.s32 $0xFFFFFFFF;
	p2 =	slt.u32 s8, $0xFFFFF086  }
0x1c: {  	p1 =	slt.u32 s9, $0xF7A;
	s5 =	simm.s32 @!p2 $0x0  }
0x1d: {  	s5 =	simm.s32 @p1 $0x1;
	p0 =	seq.s32 s7, s2  }
0x1e: {  	s7 =	smul.u32 @!p0 $0xF7A, s2;
	p2 =	seq.s32 @!p0 s5, $0x0  }
0x1f: {  	s9 =	smul.u32 $0xF7A, s1;
	s8 =	simm.s32 @!p0 $0x1BF5;
	p2 =	por !p2, p0  }
0x20: {  	[sflag:s8] =	ssyncset.s32 @!p0 $0xFFFFF086;
	s6 =	sadd.s32 @!p0 s3, s7;
	s7 =	simm.s32 @!p0 $0x108  }
0x21: {  	s3 =	sadd.s32 s3, s9;
	s6 =	sadd.s32 @!p0 $0x88, s6;
	s7 =	simm.s32 @p2 $0x1082  }
0x22: {  	[simem:s7], [sflag:s8] =	dma.local @!p0 [hbm:s6], $0xF7A  }
0x23: {  	s9 =	sor.u32 $0xD0000000, s2;
	s6 =	simm.s32 $0x108;
	_ =	swait.ge @!p0 [sflag:s8], $0x0  }
0x24: {  	s3 =	sadd.s32 $0x88, s3;
	s6 =	simm.s32 @!p1 $0x1082;
	[sflag:s4] =	ssyncset.s32 $0xFFFFF086  }
0x25: {  	[simem:s6], [sflag:s4] =	dma.local [hbm:s3], $0xF7A  }
0x26: {  	[smem:$0x3F9C] =	sst s1;
	(tag) =	ssettag s2;
	_ =	strace s9  }
0x27: {  	s1 =	sld [smem:$0x3FAC]  }
0x28: {  	s2 =	sld [smem:$0x3FAD]  }
0x29: {  	s4 =	sld [smem:$0x3FAF]  }
0x2a: {  	p0 =	seq.s32 s5, $0x0;
	s5 =	sld [smem:$0x3FB0]  }
0x2b: {  	s6 =	sld [smem:$0x3FB1]  }
0x2c: {  	s7 =	sld [smem:$0x3FB2]  }
0x2d: {  	s3 =	simm.s32 $0x108;
	s8 =	sld [smem:$0x3FB3]  }
0x2e: {  	s3 =	simm.s32 @!p0 $0x1082;
	s9 =	sld [smem:$0x3FB4]  }
0x2f: {  	lr =	sadd.s32 s0, s3;
	s0 =	sld [smem:$0x3FAB]  }
0x30: {  	s3 =	sld [smem:$0x3FAE]  }
0x31: {  	[smem:$0x3FB7] =	sst s10  }
0x32: {  	s10 =	sld [smem:$0x3FB5];
	_ =	sdelay $0x3  }
0x33: {  	p0 =	seq.s32 s10, $0x1;
	s10 =	sld [smem:$0x3FB7];
	_ =	sdelay $0x3  }
0x34: {  	[smem:$0x3FB7] =	sst s10  }
0x35: {  	s10 =	sld [smem:$0x3FB6];
	_ =	sdelay $0x3  }
0x36: {  	p1 =	seq.s32 s10, $0x1;
	s10 =	sld [smem:$0x3FB7];
	_ =	sdelay $0x3  }
0x37: {  	[smem:$0x3FB7] =	sst s10  }
0x38: {  	s10 =	sld [smem:$0x3FB8]  }
0x39: {  	_ = 	snop;
	(pc) =	sbr.ind lr, $3  }
0x3a: {  	_ = 	snop  }
0x3b: {  	_ = 	snop  }
0x3c: {  	p2 =	seq.s32 s10, $0x1;
	s10 =	sld [smem:$0x3FB7]  }
0x3d: {  	_ =	shalt  }
0x3e: {  	_ =	shalt  }
0x3f: {  	_ =	shalt  }
0x40: {  	_ =	shalt  }
0x41: {  	_ =	shalt  }
0x42: {  	_ =	shalt  }
0x43: {  	_ =	shalt  }
0x44: {  	_ =	shalt  }
0x45: {  	_ =	shalt  }
0x46: {  	_ =	shalt  }
0x47: {  	_ =	shalt  }
0x48: {  	_ =	shalt  }
0x49: {  	_ =	shalt  }
0x4a: {  	_ =	shalt  }
0x4b: {  	_ =	shalt  }
0x4c: {  	_ =	shalt  }
0x4d: {  	_ =	shalt  }
0x4e: {  	_ =	shalt  }
0x4f: {  	_ =	shalt  }
0x50: {  	_ =	shalt  }
0x51: {  	_ =	shalt  }
0x52: {  	_ =	shalt  }
0x53: {  	_ =	shalt  }
0x54: {  	_ =	shalt  }
0x55: {  	_ =	shalt  }
0x56: {  	_ =	shalt  }
0x57: {  	_ =	shalt  }
0x58: {  	_ =	shalt  }
0x59: {  	_ =	shalt  }
0x5a: {  	_ =	shalt  }
0x5b: {  	_ =	shalt  }
0x5c: {  	_ =	shalt  }
0x5d: {  	_ =	shalt  }
0x5e: {  	_ =	shalt  }
0x5f: {  	_ =	shalt  }
0x60: {  	_ =	shalt  }
0x61: {  	_ =	shalt  }
0x62: {  	_ =	shalt  }
0x63: {  	_ =	shalt  }
0x64: {  	_ =	shalt  }
0x65: {  	_ =	shalt  }
0x66: {  	_ =	shalt  }
0x67: {  	_ =	shalt  }
0x68: {  	_ =	shalt  }
0x69: {  	_ =	shalt  }
0x6a: {  	_ =	shalt  }
0x6b: {  	_ =	shalt  }
0x6c: {  	_ =	shalt  }
0x6d: {  	_ =	shalt  }
0x6e: {  	_ =	shalt  }
0x6f: {  	_ =	shalt  }
0x70: {  	_ =	shalt  }
0x71: {  	_ =	shalt  }
0x72: {  	_ =	shalt  }
0x73: {  	_ =	shalt  }
0x74: {  	_ =	shalt  }
0x75: {  	_ =	shalt  }
0x76: {  	_ =	shalt  }
0x77: {  	_ =	shalt  }
0x78: {  	_ =	shalt  }
0x79: {  	_ =	shalt  }
0x7a: {  	_ =	shalt  }
0x7b: {  	_ =	shalt  }
0x7c: {  	_ =	shalt  }
0x7d: {  	_ =	shalt  }
0x7e: {  	_ =	shalt  }
0x7f: {  	_ =	shalt  }
0x80: {  	_ =	shalt  }
0x81: {  	_ =	shalt  }
0x82: {  	_ =	shalt  }
0x83: {  	_ =	shalt  }
0x84: {  	_ =	shalt  }
0x85: {  	_ =	shalt  }
0x86: {  	_ =	shalt  }
0x87: {  	_ =	shalt  }
.Lfunc_end0:
.L_simem_size_0:
called_computation_lowered:
.L_overlay_start_0:
0x88: {  	s0 =	sld [smem:$0x3FD9]  }
0x89: {  	s1 =	sld [smem:$0x3FFE];
	_ =	sdelay $0x3  }
0x8a: {  	s0 =	sadd.s32 s1, s0  }
0x8b: {  	[smem:$0x3FC3] =	sst s0  }
0x8c: {  	_ = 	snop  }
0x8d: {  	s0 =	sld [smem:$0x3FC9]  }
0x8e: {  	s14 =	sld [smem:$0x3FC8]  }
0x8f: {  	s2 =	sld [smem:$0x3FD0]  }
0x90: {  	s3 =	sld [smem:$0x3FC7]  }
0x91: {  	s4 =	sld [smem:$0x3FC6]  }
0x92: {  	s6 =	simm.s32 $0xA;
	s7 =	simm.s32 $0x10;
	s5 =	sld [smem:$0x3FC5]  }
0x93: {  	[smem:s7], [sflag:s6] =	dma.local [hbm:s2], $0x1  }
0x94: {  	_ =	swait.eq [sflag:s6], $0x1  }
0x95: {  	s15 =	sld [smem:$0x10];
	[sflag:s6] =	ssyncset.done $0x0  }
0x96: {  	s16 =	sld [smem:$0x11];
	[sflag:s6] =	ssyncadd.s32 $0xFFFFFFFF  }
0x97: {  	s17 =	sld [smem:$0x12];
	(tm) =	ssettm $0x1  }
0x98: {  	s8 =	sld [smem:$0x3FFB];
	_ =	sdelay $0x3  }
0x99: {  	_ =	strace s8  }
0x9a: {  	s8 =	sld [smem:$0x3FFC];
	_ =	sdelay $0x3  }
0x9b: {  	_ =	strace s8  }
0x9c: {  	s8 =	sld [smem:$0x3FFD];
	_ =	sdelay $0x3  }
0x9d: {  	_ =	strace s8  }
0x9e: {  	_ =	strace $0x8FFFFFFF  }
0x9f: {  	s18 =	sld [smem:$0x3FDB];
	_ =	sdelay $0x1  }
0xa0: {  	s9 =	simm.s32 $_scs_section_size  }
0xa1: {  	s10 =	simm.s32 $_size__tile_overlayer_lowered;
	s11 =	simm.s32 $_tile_overlayer_lowered  }
0xa2: {  	s21 =	simm.s32 $0x1BFF;
	s20 =	sshll.u32 s11, $0x1;
	s8 =	sadd.s32 s9, s18  }
0xa3: {  	s12 =	simm.s32 $0x0;
	s19 =	sshll.u32 s10, $0x1;
	s10 =	sadd.s32 s20, s8  }
0xa4: {  	[timem:s12], [sflag:s21] =	dma.local [hbm:s10], s19  }
0xa5: {  	_ =	swait.ge [sflag:s21], s19  }
0xa6: {  	s9 =	ssub.s32 $0x0, s19;
	[sflag:s21] =	ssyncset.done $0x0  }
0xa7: {  	[sflag:s21] =	ssyncadd.s32 s9;
	_ =	sdelay $0x1  }
0xa8: {  	s22 =	simm.s32 $0x1B8B  }
0xa9: {  	_ =	swait.ge [sflag:s22], $0x1  }
0xaa: {  	[sflag:s22] =	ssyncset.done $0x0  }
0xab: {  	s23 =	simm.s32 $0x1B8E;
	[sflag:s22] =	ssyncadd.s32 $0xFFFFFFFF  }
0xac: {  	s24 =	simm.s32 $execute0_lowered;
	[smem:$0x3FD2] =	sst s23  }
0xad: {  	s9 =	sshll.u32 s24, $0x1;
	_ =	strace $0x80000046;
	[dreg:$0x1] =	wrdreg $0xFFFFFFFF  }
0xae: {  	s25 =	simm.s32 $_size_execute0_lowered;
	s8 =	sadd.s32 s8, s9;
	[dreg:$0x0] =	wrdreg $0x0  }
0xaf: {  	s9 =	sshll.u32 s25, $0x1;
	[dreg:$0x2] =	wrdreg s8  }
0xb0: {  	[dreg:$0x3] =	wrdreg s9  }
0xb1: {  	[dreg:$0x4] =	wrdreg $0xC0  }
0xb2: {  	_ =	task [dreg:s12], $0x5FFFF  }
0xb3: {  	[dreg:$0x1] =	wrdreg $0xFFFFFFFF  }
0xb4: {  	[dreg:$0x0] =	wrdreg $0x60  }
0xb5: {  	[dreg:$0x2] =	wrdreg s0  }
0xb6: {  	[dreg:$0x3] =	wrdreg s14  }
0xb7: {  	[dreg:$0x4] =	wrdreg s3  }
0xb8: {  	[dreg:$0x5] =	wrdreg s4  }
0xb9: {  	[dreg:$0x6] =	wrdreg s5  }
0xba: {  	[dreg:$0x7] =	wrdreg s15  }
0xbb: {  	[dreg:$0x8] =	wrdreg s16  }
0xbc: {  	[dreg:$0x9] =	wrdreg s17  }
0xbd: {  	[dreg:$0xa] =	wrdreg $0xC4200  }
0xbe: {  	[dreg:$0xb] =	wrdreg $0xC4680  }
0xbf: {  	[dreg:$0xc] =	wrdreg $0xC4B00  }
0xc0: {  	[dreg:$0xd] =	wrdreg $0x9  }
0xc1: {  	_ =	task.clear_ibuf [dreg:s12], $0xEFFFF;
	_ =	strace $0x90000046  }
0xc2: {  	s26 =	simm.s32 $0x9;
	_ =	strace $0x80000048  }
0xc3: {  	_ =	swait.ge [sflag:s26], $0x1  }
0xc4: {  	[sflag:s26] =	ssyncadd.s32 $0xFFFFFFFF  }
0xc5: {  	_ =	strace $0x90000048  }
0xc6: {  	_ =	sfence  }
0xc7: {  	s28 =	sld [smem:$0x0];
	_ =	sdelay $0x1  }
0xc8: {  	s29 =	srdreg.scid  }
0xc9: {  	s30 =	sshll.u32 s29, $0xD;
	s31 =	sshrl.u32 s29, $0x2  }
0xca: {  	s1 =	sand.u32 $0x1, s29;
	s2 =	sand.u32 $0x4000, s30;
	s0 =	sadd.s32 s31, s28  }
0xcb: {  	s1 =	sor.u32 s2, s1;
	s0 =	sshll.u32 s0, $0x11  }
0xcc: {  	s0 =	sor.u32 s0, s1  }
0xcd: {  	s0 =	sadd.s32 $0x8F2B, s0  }
0xce: {  	[sflag:s0] =	ssyncadd.remote.s32 $0x1  }
0xcf: {  	_ =	sfence.sel $0xFFFF  }
0xd0: {  	[dreg:$0x0] =	wrdreg $0xFFFFFFFF;
	(pc) =	sbr.abs _section_cstart, $3  }
0xd1: {  	[dreg:$0x1] =	wrdreg $0xFFFFFFFF  }
0xd2: {  	_ =	task.clear_ibuf [dreg:s12], $0x2FFFF;
	_ =	strace $0x9FFFFFFF  }
0xd3: {  	(tm) =	ssettm $0x7FFFFFFF  }
tec
execute0_lowered:
.L_overlay_start_1:
0x0: {  	(tag) =	ssettag $0x1  }
0x1: {  	s8 =	rddreg [dreg:$0x0]  }
0x2: {  	s12 =	rddreg [dreg:$0x1]  }
0x3: {  	s14 =	rddreg [dreg:$0x2]  }
0x4: {  	s5 =	rddreg [dreg:$0x3]  }
0x5: {  	s2 =	rddreg [dreg:$0x4]  }
0x6: {  	s1 =	rddreg [dreg:$0x5]  }
0x7: {  	s4 =	rddreg [dreg:$0x6]  }
0x8: {  	s10 =	rddreg [dreg:$0x7];
	s13 =	stileid.u32  }
0x9: {  	s7 =	rddreg [dreg:$0x8];
	p0 =	sne.s32 s13, $0x0  }
.Ltmp0:
0xa: {  	s6 =	rddreg [dreg:$0x9];
	(pc) =	sbr.rel @p0 .LBB2_4-.Ltmp0, $4  }
0xb: {  	s3 =	rddreg [dreg:$0xa];
	s9 =	simm.s32 $0x0  }
0xc: {  	[smem:$0x7FF] =	sst s9;
	s11 =	smul.u32 $0x310, s13  }
0xd: {  	s0 =	rddreg [dreg:$0xb];
	_ =	strace $0x80000047  }
0xe: {  	s13 =	sadd.s32 s8, s11;
	s12 =	sadd.s32 s12, s11;
	s8 =	sadd.s32 s14, s11  }
0xf: {  	v0 =	vimm.f32 $0.0e+00;
	s14 =	simm.s32 $0x40;
	s15 =	simm.s32 $0x0  }
.LBB2_2:
0x10: {  	p1 =	sne.s32 s14, $0x1000;
	[tilespmem:s15+$0xAFF0] =	vst v0;
	s15 =	smov.u32 s14;
	s14 =	sadd.s32 $0x40, s14  }
.Ltmp1:
0x11: {  	(pc) =	sbr.rel @p1 .LBB2_2-.Ltmp1, $2  }
0x12: {  	_ =	sdelay $0x2  }
0x13: {  	s15 =	sshra.s32 s15, $0x2  }
0x14: {  	[tilespmem:s15+$0xAFF0] =	vst v0;
	s14 =	simm.s32 $0xAFF0;
	s31 =	simm.s32 $0x1  }
0x15: {  	[spmem:s7] =	stream.linear.scatter [tilespmem:s14], [sflag:$0x1], $0x410, $0x38;
	[tilespmem:$0xC4F8] =	vst v63  }
0x16: {  	_ =	swait.ge [sflag:s31], $0x410  }
0x17: {  	[sflag:s31] =	ssyncset.done $0x0  }
0x18: {  	[sflag:s31] =	ssyncadd.s32 $0xFFFFFBF0  }
0x19: {  	[spmem:s6] =	stream.linear.scatter [tilespmem:s14], [sflag:$0x1], $0x410, $0x38;
	[tilespmem:$0xC4F8] =	vst v63  }
0x1a: {  	_ =	swait.ge [sflag:s31], $0x410  }
0x1b: {  	[sflag:s31] =	ssyncset.done $0x0  }
0x1c: {  	[sflag:s31] =	ssyncadd.s32 $0xFFFFFBF0  }
.LBB2_4:
0x1d: {  	[tilespmem:s9], [sflag:$0x1] =	stream.linear.gather [hbm4b:s13+s9], $0x1880, $0x38;
	[tilespmem:$0xC4F8] =	vst v63  }
0x1e: {  	s30 =	simm.s32 $0x1  }
0x1f: {  	_ =	swait.ge [sflag:s30], $0x1880  }
0x20: {  	[sflag:s30] =	ssyncset.done $0x0  }
0x21: {  	s14 =	simm.s32 $0x1880;
	[sflag:s30] =	ssyncadd.s32 $0xFFFFE780  }
0x22: {  	[tilespmem:s14], [sflag:$0x1] =	stream.linear.gather [hbm4b:s12+s9], $0x1880, $0x38;
	[tilespmem:$0xC4F8] =	vst v63  }
0x23: {  	_ =	swait.ge [sflag:s30], $0x1880  }
0x24: {  	[sflag:s30] =	ssyncset.done $0x0  }
0x25: {  	s31 =	simm.s32 $0x3100;
	[sflag:s30] =	ssyncadd.s32 $0xFFFFE780  }
0x26: {  	[tilespmem:s31], [sflag:$0x1] =	stream.linear.gather [hbm4b:s8+s9], $0x1880, $0x38;
	[tilespmem:$0xC4F8] =	vst v63  }
0x27: {  	_ =	swait.ge [sflag:s30], $0x1880  }
0x28: {  	[sflag:s30] =	ssyncset.done $0x0  }
0x29: {  	s8 =	simm.s32 $0xAB80;
	[sflag:s30] =	ssyncadd.s32 $0xFFFFE780  }
0x2a: {  	[tilespmem:s8], [sflag:$0x1] =	stream.linear.gather [hbm4b:s2+s9], $0x60, $0x38;
	[tilespmem:$0xC4F8] =	vst v63  }
0x2b: {  	_ =	swait.ge [sflag:s30], $0x60  }
0x2c: {  	[sflag:s30] =	ssyncset.done $0x0  }
0x2d: {  	s9 =	simm.s32 $0x0;
	[sflag:s30] =	ssyncadd.s32 $0xFFFFFFA0  }
0x2e: {  	v0 =	vld [tilespmem:s9+$0x1880];
	_ =	sdelay $0x7  }
0x2f: {  	v0 =	vld.idx.msk [tilespmem:v0+s8+$0x0], $0xffff;
	_ =	sdelay $0x4  }
0x30: {  	v1 =	vand.u32 $0x7FFFFFFF, v0  }
0x31: {  	v1 =	vadd.f32 v1, v1;
	_ =	sdelay $0x1  }
0x32: {  	v1 =	vadd.f32 $9.999999970e-07, v1;
	_ =	sdelay $0x1  }
0x33: {  	(erf) = vrcp.f32 v1;
	_ =	sdelay $0x2  }
0x34: {  	v50 =	vld [tilespmem:s9+$0x1890];
	_ =	sdelay $0x5  }
0x35: {  	[tilespmem:s9+$0x6200] =	vst v0;
	v1 =	vpop (erf)  }
0x36: {  	[tilespmem:s9+$0x4980] =	vst v1  }
0x37: {  	v0 =	vld.idx.msk [tilespmem:v50+s8+$0x0], $0xffff;
	_ =	sdelay $0x4  }
0x38: {  	v51 =	vand.u32 $0x7FFFFFFF, v0  }
0x39: {  	v1 =	vadd.f32 v51, v51;
	_ =	sdelay $0x1  }
0x3a: {  	v1 =	vadd.f32 $9.999999970e-07, v1;
	_ =	sdelay $0x1  }
0x3b: {  	(erf) = vrcp.f32 v1;
	_ =	sdelay $0x2  }
0x3c: {  	v52 =	vld [tilespmem:s9+$0x18A0];
	_ =	sdelay $0x5  }
0x3d: {  	[tilespmem:s9+$0x6210] =	vst v0;
	v1 =	vpop (erf)  }
0x3e: {  	[tilespmem:s9+$0x4990] =	vst v1  }
0x3f: {  	v0 =	vld.idx.msk [tilespmem:v52+s8+$0x0], $0xffff;
	_ =	sdelay $0x4  }
0x40: {  	v53 =	vand.u32 $0x7FFFFFFF, v0  }
0x41: {  	v1 =	vadd.f32 v53, v53;
	_ =	sdelay $0x1  }
0x42: {  	v1 =	vadd.f32 $9.999999970e-07, v1;
	_ =	sdelay $0x1  }
0x43: {  	(erf) = vrcp.f32 v1;
	_ =	sdelay $0x2  }
0x44: {  	v54 =	vld [tilespmem:s9+$0x18B0];
	_ =	sdelay $0x5  }
0x45: {  	[tilespmem:s9+$0x6220] =	vst v0;
	v55 =	vpop (erf)  }
0x46: {  	[tilespmem:s9+$0x49A0] =	vst v55  }
0x47: {  	v0 =	vld.idx.msk [tilespmem:v54+s8+$0x0], $0xffff;
	_ =	sdelay $0x4  }
0x48: {  	v1 =	vand.u32 $0x7FFFFFFF, v0  }
0x49: {  	v1 =	vadd.f32 v1, v1;
	_ =	sdelay $0x1  }
0x4a: {  	v1 =	vadd.f32 $9.999999970e-07, v1;
	_ =	sdelay $0x1  }
0x4b: {  	(erf) = vrcp.f32 v1;
	_ =	sdelay $0x2  }
0x4c: {  	v56 =	vld [tilespmem:s9+$0x18C0];
	_ =	sdelay $0x5  }
0x4d: {  	[tilespmem:s9+$0x6230] =	vst v0;
	v57 =	vpop (erf)  }
0x4e: {  	[tilespmem:s9+$0x49B0] =	vst v57  }
0x4f: {  	v0 =	vld.idx.msk [tilespmem:v56+s8+$0x0], $0xffff;
	_ =	sdelay $0x4  }
0x50: {  	v1 =	vand.u32 $0x7FFFFFFF, v0  }
0x51: {  	v1 =	vadd.f32 v1, v1;
	_ =	sdelay $0x1  }
0x52: {  	v1 =	vadd.f32 $9.999999970e-07, v1;
	_ =	sdelay $0x1  }
0x53: {  	(erf) = vrcp.f32 v1;
	_ =	sdelay $0x2  }
0x54: {  	v58 =	vld [tilespmem:s9+$0x18D0];
	_ =	sdelay $0x5  }
0x55: {  	[tilespmem:s9+$0x6240] =	vst v0;
	v59 =	vpop (erf)  }
0x56: {  	[tilespmem:s9+$0x49C0] =	vst v59  }
0x57: {  	v0 =	vld.idx.msk [tilespmem:v58+s8+$0x0], $0xffff;
	_ =	sdelay $0x4  }
0x58: {  	v1 =	vand.u32 $0x7FFFFFFF, v0  }
0x59: {  	v1 =	vadd.f32 v1, v1;
	_ =	sdelay $0x1  }
0x5a: {  	v1 =	vadd.f32 $9.999999970e-07, v1;
	_ =	sdelay $0x1  }
0x5b: {  	(erf) = vrcp.f32 v1;
	_ =	sdelay $0x2  }
0x5c: {  	v60 =	vld [tilespmem:s9+$0x18E0];
	_ =	sdelay $0x5  }
0x5d: {  	[tilespmem:s9+$0x6250] =	vst v0;
	v61 =	vpop (erf)  }
0x5e: {  	[tilespmem:s9+$0x49D0] =	vst v61  }
0x5f: {  	v0 =	vld.idx.msk [tilespmem:v60+s8+$0x0], $0xffff;
	_ =	sdelay $0x4  }
0x60: {  	v1 =	vand.u32 $0x7FFFFFFF, v0  }
0x61: {  	v1 =	vadd.f32 v1, v1;
	_ =	sdelay $0x1  }
0x62: {  	v1 =	vadd.f32 $9.999999970e-07, v1;
	_ =	sdelay $0x1  }
0x63: {  	(erf) = vrcp.f32 v1;
	_ =	sdelay $0x2  }
0x64: {  	v62 =	vld [tilespmem:s9+$0x18F0];
	_ =	sdelay $0x5  }
0x65: {  	[tilespmem:s9+$0x6260] =	vst v0;
	v63 =	vpop (erf)  }
0x66: {  	[tilespmem:s9+$0x49E0] =	vst v63  }
0x67: {  	v0 =	vld.idx.msk [tilespmem:v62+s8+$0x0], $0xffff;
	_ =	sdelay $0x4  }
0x68: {  	v1 =	vand.u32 $0x7FFFFFFF, v0  }
0x69: {  	v1 =	vadd.f32 v1, v1;
	_ =	sdelay $0x1  }
0x6a: {  	v1 =	vadd.f32 $9.999999970e-07, v1;
	_ =	sdelay $0x1  }
0x6b: {  	(erf) = vrcp.f32 v1  }
0x6c: {  	s2 =	sadd.s32 s1, s11  }
0x6d: {  	s1 =	sadd.s32 s10, s11;
	s11 =	simm.s32 $0x80;
	s10 =	simm.s32 $0x400;
	[tilespmem:s9+$0x6270] =	vst v0  }
.LBB2_5:
0x6e: {  	p1 =	sne.s32 s10, $0x6000;
	v0 =	vld [tilespmem:s11+$0x1880];
	_ =	sdelay $0x5  }
0x6f: {  	v1 =	vpop (erf)  }
0x70: {  	[tilespmem:s9+$0x49F0] =	vst v1;
	s9 =	smov.u32 s11  }
0x71: {  	v0 =	vld.idx.msk [tilespmem:v0+s8+$0x0], $0xffff;
	_ =	sdelay $0x5  }
0x72: {  	v1 =	vand.u32 $0x7FFFFFFF, v0;
	[tilespmem:s9+$0x6200] =	vst v0  }
0x73: {  	v0 =	vadd.f32 v1, v1;
	_ =	sdelay $0x1  }
0x74: {  	v0 =	vadd.f32 $9.999999970e-07, v0;
	_ =	sdelay $0x1  }
0x75: {  	(erf) = vrcp.f32 v0;
	_ =	sdelay $0x2  }
0x76: {  	v0 =	vld [tilespmem:s9+$0x1890];
	_ =	sdelay $0x5  }
0x77: {  	v1 =	vpop (erf)  }
0x78: {  	[tilespmem:s9+$0x4980] =	vst v1  }
0x79: {  	v0 =	vld.idx.msk [tilespmem:v0+s8+$0x0], $0xffff;
	_ =	sdelay $0x5  }
0x7a: {  	v1 =	vand.u32 $0x7FFFFFFF, v0;
	[tilespmem:s9+$0x6210] =	vst v0  }
0x7b: {  	v0 =	vadd.f32 v1, v1;
	_ =	sdelay $0x1  }
0x7c: {  	v0 =	vadd.f32 $9.999999970e-07, v0;
	_ =	sdelay $0x1  }
0x7d: {  	(erf) = vrcp.f32 v0;
	_ =	sdelay $0x2  }
0x7e: {  	v0 =	vld [tilespmem:s9+$0x18A0];
	_ =	sdelay $0x5  }
0x7f: {  	v1 =	vpop (erf)  }
0x80: {  	[tilespmem:s9+$0x4990] =	vst v1  }
0x81: {  	v0 =	vld.idx.msk [tilespmem:v0+s8+$0x0], $0xffff;
	_ =	sdelay $0x5  }
0x82: {  	v1 =	vand.u32 $0x7FFFFFFF, v0  }
0x83: {  	v1 =	vadd.f32 v1, v1;
	_ =	sdelay $0x1  }
0x84: {  	v1 =	vadd.f32 $9.999999970e-07, v1;
	_ =	sdelay $0x1  }
0x85: {  	(erf) = vrcp.f32 v1;
	_ =	sdelay $0x2  }
0x86: {  	v1 =	vld [tilespmem:s9+$0x18B0];
	_ =	sdelay $0x5  }
0x87: {  	[tilespmem:s9+$0x6220] =	vst v0;
	v0 =	vpop (erf)  }
0x88: {  	[tilespmem:s9+$0x49A0] =	vst v0  }
0x89: {  	v0 =	vld.idx.msk [tilespmem:v1+s8+$0x0], $0xffff;
	_ =	sdelay $0x5  }
0x8a: {  	v1 =	vand.u32 $0x7FFFFFFF, v0  }
0x8b: {  	v1 =	vadd.f32 v1, v1;
	_ =	sdelay $0x1  }
0x8c: {  	v1 =	vadd.f32 $9.999999970e-07, v1;
	_ =	sdelay $0x1  }
0x8d: {  	(erf) = vrcp.f32 v1;
	_ =	sdelay $0x2  }
0x8e: {  	v1 =	vld [tilespmem:s9+$0x18C0];
	_ =	sdelay $0x5  }
0x8f: {  	[tilespmem:s9+$0x6230] =	vst v0;
	v0 =	vpop (erf)  }
0x90: {  	[tilespmem:s9+$0x49B0] =	vst v0  }
0x91: {  	v0 =	vld.idx.msk [tilespmem:v1+s8+$0x0], $0xffff;
	_ =	sdelay $0x5  }
0x92: {  	v1 =	vand.u32 $0x7FFFFFFF, v0  }
0x93: {  	v1 =	vadd.f32 v1, v1;
	_ =	sdelay $0x1  }
0x94: {  	v1 =	vadd.f32 $9.999999970e-07, v1;
	_ =	sdelay $0x1  }
0x95: {  	(erf) = vrcp.f32 v1;
	_ =	sdelay $0x2  }
0x96: {  	v1 =	vld [tilespmem:s9+$0x18D0];
	_ =	sdelay $0x5  }
0x97: {  	[tilespmem:s9+$0x6240] =	vst v0;
	v0 =	vpop (erf)  }
0x98: {  	[tilespmem:s9+$0x49C0] =	vst v0  }
0x99: {  	v0 =	vld.idx.msk [tilespmem:v1+s8+$0x0], $0xffff;
	_ =	sdelay $0x5  }
0x9a: {  	v1 =	vand.u32 $0x7FFFFFFF, v0  }
0x9b: {  	v1 =	vadd.f32 v1, v1;
	_ =	sdelay $0x1  }
0x9c: {  	v1 =	vadd.f32 $9.999999970e-07, v1;
	_ =	sdelay $0x1  }
0x9d: {  	(erf) = vrcp.f32 v1;
	_ =	sdelay $0x2  }
0x9e: {  	v1 =	vld [tilespmem:s9+$0x18E0];
	_ =	sdelay $0x5  }
0x9f: {  	[tilespmem:s9+$0x6250] =	vst v0;
	v0 =	vpop (erf)  }
0xa0: {  	[tilespmem:s9+$0x49D0] =	vst v0  }
0xa1: {  	v0 =	vld.idx.msk [tilespmem:v1+s8+$0x0], $0xffff;
	_ =	sdelay $0x5  }
0xa2: {  	v1 =	vand.u32 $0x7FFFFFFF, v0  }
0xa3: {  	v1 =	vadd.f32 v1, v1;
	_ =	sdelay $0x1  }
0xa4: {  	v1 =	vadd.f32 $9.999999970e-07, v1;
	_ =	sdelay $0x1  }
0xa5: {  	(erf) = vrcp.f32 v1;
	_ =	sdelay $0x2  }
0xa6: {  	v1 =	vld [tilespmem:s9+$0x18F0];
	_ =	sdelay $0x5  }
0xa7: {  	[tilespmem:s9+$0x6260] =	vst v0;
	v0 =	vpop (erf)  }
0xa8: {  	[tilespmem:s9+$0x49E0] =	vst v0  }
0xa9: {  	v0 =	vld.idx.msk [tilespmem:v1+s8+$0x0], $0xffff;
	_ =	sdelay $0x5  }
0xaa: {  	v1 =	vand.u32 $0x7FFFFFFF, v0;
	[tilespmem:s9+$0x6270] =	vst v0  }
0xab: {  	v0 =	vadd.f32 v1, v1;
	_ =	sdelay $0x1  }
.Ltmp2:
0xac: {  	v0 =	vadd.f32 $9.999999970e-07, v0;
	(pc) =	sbr.rel @p1 .LBB2_5-.Ltmp2, $3  }
0xad: {  	_ = 	snop  }
0xae: {  	(erf) = vrcp.f32 v0;
	_ =	sdelay $0x1  }
0xaf: {  	s11 =	sshra.s32 s10, $0x2;
	s10 =	sadd.s32 $0x200, s10  }
0xb0: {  	v0 =	vld [tilespmem:s11+$0x1880];
	_ =	sdelay $0x5  }
0xb1: {  	v1 =	vpop (erf)  }
0xb2: {  	[tilespmem:s9+$0x49F0] =	vst v1  }
0xb3: {  	v0 =	vld.idx.msk [tilespmem:v0+s8+$0x0], $0xffff;
	_ =	sdelay $0x4  }
0xb4: {  	v48 =	vand.u32 $0x7FFFFFFF, v0  }
0xb5: {  	v1 =	vadd.f32 v48, v48;
	_ =	sdelay $0x1  }
0xb6: {  	v1 =	vadd.f32 $9.999999970e-07, v1;
	_ =	sdelay $0x1  }
0xb7: {  	(erf) = vrcp.f32 v1;
	_ =	sdelay $0x2  }
0xb8: {  	v49 =	vld [tilespmem:s11+$0x1890];
	_ =	sdelay $0x5  }
0xb9: {  	[tilespmem:s11+$0x6200] =	vst v0;
	v1 =	vpop (erf)  }
0xba: {  	[tilespmem:s11+$0x4980] =	vst v1  }
0xbb: {  	v0 =	vld.idx.msk [tilespmem:v49+s8+$0x0], $0xffff;
	_ =	sdelay $0x4  }
0xbc: {  	v50 =	vand.u32 $0x7FFFFFFF, v0  }
0xbd: {  	v1 =	vadd.f32 v50, v50;
	_ =	sdelay $0x1  }
0xbe: {  	v1 =	vadd.f32 $9.999999970e-07, v1;
	_ =	sdelay $0x1  }
0xbf: {  	(erf) = vrcp.f32 v1;
	_ =	sdelay $0x2  }
0xc0: {  	v51 =	vld [tilespmem:s11+$0x18A0];
	_ =	sdelay $0x5  }
0xc1: {  	[tilespmem:s11+$0x6210] =	vst v0;
	v1 =	vpop (erf)  }
0xc2: {  	[tilespmem:s11+$0x4990] =	vst v1  }
0xc3: {  	v0 =	vld.idx.msk [tilespmem:v51+s8+$0x0], $0xffff;
	_ =	sdelay $0x4  }
0xc4: {  	v52 =	vand.u32 $0x7FFFFFFF, v0  }
0xc5: {  	v1 =	vadd.f32 v52, v52;
	_ =	sdelay $0x1  }
0xc6: {  	v1 =	vadd.f32 $9.999999970e-07, v1;
	_ =	sdelay $0x1  }
0xc7: {  	(erf) = vrcp.f32 v1;
	_ =	sdelay $0x2  }
0xc8: {  	v53 =	vld [tilespmem:s11+$0x18B0];
	_ =	sdelay $0x5  }
0xc9: {  	[tilespmem:s11+$0x6220] =	vst v0;
	v54 =	vpop (erf)  }
0xca: {  	[tilespmem:s11+$0x49A0] =	vst v54  }
0xcb: {  	v0 =	vld.idx.msk [tilespmem:v53+s8+$0x0], $0xffff;
	_ =	sdelay $0x4  }
0xcc: {  	v1 =	vand.u32 $0x7FFFFFFF, v0  }
0xcd: {  	v1 =	vadd.f32 v1, v1;
	_ =	sdelay $0x1  }
0xce: {  	v1 =	vadd.f32 $9.999999970e-07, v1;
	_ =	sdelay $0x1  }
0xcf: {  	(erf) = vrcp.f32 v1;
	_ =	sdelay $0x2  }
0xd0: {  	v55 =	vld [tilespmem:s11+$0x18C0];
	_ =	sdelay $0x5  }
0xd1: {  	[tilespmem:s11+$0x6230] =	vst v0;
	v56 =	vpop (erf)  }
0xd2: {  	[tilespmem:s11+$0x49B0] =	vst v56  }
0xd3: {  	v0 =	vld.idx.msk [tilespmem:v55+s8+$0x0], $0xffff;
	_ =	sdelay $0x4  }
0xd4: {  	v1 =	vand.u32 $0x7FFFFFFF, v0  }
0xd5: {  	v1 =	vadd.f32 v1, v1;
	_ =	sdelay $0x1  }
0xd6: {  	v1 =	vadd.f32 $9.999999970e-07, v1;
	_ =	sdelay $0x1  }
0xd7: {  	(erf) = vrcp.f32 v1;
	_ =	sdelay $0x2  }
0xd8: {  	v57 =	vld [tilespmem:s11+$0x18D0];
	_ =	sdelay $0x5  }
0xd9: {  	[tilespmem:s11+$0x6240] =	vst v0;
	v58 =	vpop (erf)  }
0xda: {  	[tilespmem:s11+$0x49C0] =	vst v58  }
0xdb: {  	v0 =	vld.idx.msk [tilespmem:v57+s8+$0x0], $0xffff;
	_ =	sdelay $0x4  }
0xdc: {  	v1 =	vand.u32 $0x7FFFFFFF, v0  }
0xdd: {  	v1 =	vadd.f32 v1, v1;
	_ =	sdelay $0x1  }
0xde: {  	v1 =	vadd.f32 $9.999999970e-07, v1;
	_ =	sdelay $0x1  }
0xdf: {  	(erf) = vrcp.f32 v1;
	_ =	sdelay $0x2  }
0xe0: {  	v59 =	vld [tilespmem:s11+$0x18E0];
	_ =	sdelay $0x5  }
0xe1: {  	[tilespmem:s11+$0x6250] =	vst v0;
	v60 =	vpop (erf)  }
0xe2: {  	[tilespmem:s11+$0x49D0] =	vst v60  }
0xe3: {  	v0 =	vld.idx.msk [tilespmem:v59+s8+$0x0], $0xffff;
	_ =	sdelay $0x4  }
0xe4: {  	v1 =	vand.u32 $0x7FFFFFFF, v0  }
0xe5: {  	v1 =	vadd.f32 v1, v1;
	_ =	sdelay $0x1  }
0xe6: {  	v1 =	vadd.f32 $9.999999970e-07, v1;
	_ =	sdelay $0x1  }
0xe7: {  	(erf) = vrcp.f32 v1;
	_ =	sdelay $0x2  }
0xe8: {  	v61 =	vld [tilespmem:s11+$0x18F0];
	_ =	sdelay $0x5  }
0xe9: {  	[tilespmem:s11+$0x6260] =	vst v0;
	v62 =	vpop (erf)  }
0xea: {  	[tilespmem:s11+$0x49E0] =	vst v62  }
0xeb: {  	v0 =	vld.idx.msk [tilespmem:v61+s8+$0x0], $0xffff;
	_ =	sdelay $0x4  }
0xec: {  	v1 =	vand.u32 $0x7FFFFFFF, v0  }
0xed: {  	v1 =	vadd.f32 v1, v1;
	_ =	sdelay $0x1  }
0xee: {  	v1 =	vadd.f32 $9.999999970e-07, v1;
	_ =	sdelay $0x1  }
0xef: {  	(erf) = vrcp.f32 v1;
	_ =	sdelay $0x8  }
0xf0: {  	[tilespmem:s11+$0x6270] =	vst v0;
	v63 =	vpop (erf)  }
0xf1: {  	s10 =	simm.s32 $0x0;
	s30 =	simm.s32 $0x3100;
	[tilespmem:s11+$0x49F0] =	vst v63  }
0xf2: {  	s9 =	simm.s32 $0x80;
	s8 =	simm.s32 $0x1;
	[bflag:$0x0] =	sbarrier.arrive $0xFFFF  }
0xf3: {  	[spmem:s7] =	stream.indirect.scatter.add.f32 [tilespmem:s10], [sflag:$0x1], $0x1, s30, s9, $0xb8;
	[tilespmem:$0xC4F8] =	vst v63  }
0xf4: {  	_ =	swait.ge [sflag:s8], $0x80  }
0xf5: {  	[sflag:s8] =	ssyncset.done $0x0  }
0xf6: {  	s31 =	simm.s32 $0x4980;
	[sflag:s8] =	ssyncadd.s32 $0xFFFFFF80  }
0xf7: {  	[spmem:s6] =	stream.indirect.scatter.add.f32 [tilespmem:s31], [sflag:$0x1], $0x1, s30, s9, $0xb8;
	[tilespmem:$0xC4F8] =	vst v63  }
0xf8: {  	_ =	swait.ge [sflag:s8], $0x80  }
0xf9: {  	s11 =	simm.s32 $0x400;
	s10 =	simm.s32 $0x80;
	[sflag:s8] =	ssyncset.done $0x0  }
.LBB2_7:
0xfa: {  	s12 =	sadd.s32 $0x3100, s10  }
0xfb: {  	[sflag:s8] =	ssyncadd.s32 $0xFFFFFF80;
	s13 =	smov.u32 s11;
	s14 =	sadd.s32 $0x200, s11  }
0xfc: {  	[spmem:s7] =	stream.indirect.scatter.add.f32 [tilespmem:s10], [sflag:$0x1], $0x1, s12, s9, $0xb8;
	[tilespmem:$0xC4F8] =	vst v63  }
0xfd: {  	p1 =	sne.s32 s11, $0x6000;
	_ =	swait.ge [sflag:s8], $0x80  }
.Ltmp3:
0xfe: {  	[sflag:s8] =	ssyncset.done $0x0;
	(pc) =	sbr.rel @p1 .LBB2_7-.Ltmp3, $4  }
0xff: {  	s10 =	sadd.s32 $0x4980, s10;
	[sflag:s8] =	ssyncadd.s32 $0xFFFFFF80  }
0x100: {  	[spmem:s6] =	stream.indirect.scatter.add.f32 [tilespmem:s10], [sflag:$0x1], $0x1, s12, s9, $0xb8;
	[tilespmem:$0xC4F8] =	vst v63  }
0x101: {  	_ =	swait.ge [sflag:s8], $0x80  }
0x102: {  	s11 =	smov.u32 s14;
	s10 =	sshra.s32 s13, $0x2;
	[sflag:s8] =	ssyncset.done $0x0  }
0x103: {  	s11 =	sadd.s32 $0x3100, s10;
	[sflag:s8] =	ssyncadd.s32 $0xFFFFFF80  }
0x104: {  	[spmem:s7] =	stream.indirect.scatter.add.f32 [tilespmem:s10], [sflag:$0x1], $0x1, s11, s9, $0xb8;
	[tilespmem:$0xC4F8] =	vst v63  }
0x105: {  	_ =	swait.ge [sflag:s8], $0x80  }
0x106: {  	[sflag:s8] =	ssyncset.done $0x0  }
0x107: {  	s31 =	sadd.s32 $0x4980, s10;
	[sflag:s8] =	ssyncadd.s32 $0xFFFFFF80  }
0x108: {  	[spmem:s6] =	stream.indirect.scatter.add.f32 [tilespmem:s31], [sflag:$0x1], $0x1, s11, s9, $0xb8;
	[tilespmem:$0xC4F8] =	vst v63  }
.Ltmp4:
0x109: {  	_ =	swait.ge [sflag:s8], $0x80;
	(pc) =	sbr.rel @p0 .LBB2_12-.Ltmp4, $3  }
0x10a: {  	[sflag:s8] =	ssyncset.done $0x0  }
0x10b: {  	[sflag:s8] =	ssyncadd.s32 $0xFFFFFF80  }
0x10c: {  	[bflag:$0x0] =	sbarrier.arrive $0xFFFF;
	_ =	sdelay $0x1  }
0x10d: {  	s8 =	simm.s32 $0xB400;
	s28 =	simm.s32 $0x1  }
0x10e: {  	[tilespmem:s8], [sflag:$0x1] =	stream.linear.gather [spmem:s7], $0x410, $0x38;
	[tilespmem:$0xC4F8] =	vst v63  }
0x10f: {  	_ =	swait.ge [sflag:s28], $0x410  }
0x110: {  	[sflag:s28] =	ssyncset.done $0x0  }
0x111: {  	s29 =	simm.s32 $0xB810;
	[sflag:s28] =	ssyncadd.s32 $0xFFFFFBF0  }
0x112: {  	[tilespmem:s29], [sflag:$0x1] =	stream.linear.gather [spmem:s6], $0x410, $0x38;
	[tilespmem:$0xC4F8] =	vst v63  }
0x113: {  	_ =	swait.ge [sflag:s28], $0x410  }
0x114: {  	[sflag:s28] =	ssyncset.done $0x0  }
0x115: {  	s30 =	simm.s32 $0x0;
	s31 =	simm.s32 $0xBC20;
	[sflag:s28] =	ssyncadd.s32 $0xFFFFFBF0  }
0x116: {  	[tilespmem:s31], [sflag:$0x1] =	stream.linear.gather [hbm4b:s5+s30], $0x400, $0x38;
	[tilespmem:$0xC4F8] =	vst v63  }
0x117: {  	_ =	swait.ge [sflag:s28], $0x400  }
0x118: {  	[sflag:s28] =	ssyncset.done $0x0  }
0x119: {  	s5 =	simm.s32 $0x0;
	[sflag:s28] =	ssyncadd.s32 $0xFFFFFC00  }
0x11a: {  	v1 =	vld [tilespmem:s5+$0xB810];
	_ =	sdelay $0x4  }
0x11b: {  	(erf) = vrcp.f32 v1;
	_ =	sdelay $0x1  }
0x11c: {  	v0 =	vld [tilespmem:s5+$0xBC20]  }
0x11d: {  	v1 =	vld [tilespmem:s5+$0xB400]  }
0x11e: {  	s7 =	simm.s32 $0x80;
	s6 =	simm.s32 $0x10  }
.LBB2_10:
0x11f: {  	p1 =	sne.s32 s7, $0xFC0;
	v2 =	vld [tilespmem:s6+$0xB810];
	_ =	sdelay $0x2  }
0x120: {  	v0 =	vsub.f32 v0, v1  }
0x121: {  	v1 =	vpop (erf)  }
.Ltmp5:
0x122: {  	(erf) = vrcp.f32 v2;
	[tilespmem:s5+$0xC020] =	vst v0;
	v1 =	vmul.f32 v1, v0;
	(pc) =	sbr.rel @p1 .LBB2_10-.Ltmp5, $4  }
0x123: {  	_ = 	snop  }
0x124: {  	v0 =	vld [tilespmem:s6+$0xBC20];
	[tilespmem:s5+$0xB400] =	vst v1;
	s5 =	smov.u32 s6  }
0x125: {  	v1 =	vld [tilespmem:s5+$0xB400]  }
0x126: {  	s6 =	sshra.s32 s7, $0x2;
	s7 =	sadd.s32 $0x40, s7  }
0x127: {  	v2 =	vld [tilespmem:s6+$0xB810];
	_ =	sdelay $0x2  }
0x128: {  	v0 =	vsub.f32 v0, v1  }
0x129: {  	v60 =	vpop (erf)  }
0x12a: {  	(erf) = vrcp.f32 v2;
	[tilespmem:s5+$0xC020] =	vst v0;
	v0 =	vmul.f32 v60, v0;
	_ =	sdelay $0x1  }
0x12b: {  	v61 =	vld [tilespmem:s6+$0xBC20];
	[tilespmem:s5+$0xB400] =	vst v0  }
0x12c: {  	v0 =	vld [tilespmem:s6+$0xB400];
	_ =	sdelay $0x4  }
0x12d: {  	v0 =	vsub.f32 v61, v0  }
0x12e: {  	v62 =	vpop (erf)  }
0x12f: {  	v1 =	vmul.f32 v62, v0  }
0x130: {  	[tilespmem:s6+$0xC020] =	vst v0  }
0x131: {  	v63 =	vimm.f32 $0.0e+00;
	[tilespmem:s6+$0xB400] =	vst v1  }
0x132: {  	s28 =	simm.s32 $0x0;
	s29 =	simm.s32 $0xC020;
	s30 =	simm.s32 $0x1;
	[tilespmem:$0xB800] =	vst v63  }
0x133: {  	[hbm4b:s4+s28] =	stream.linear.scatter [tilespmem:s29], [sflag:$0x1], $0x400, $0x38;
	[tilespmem:$0xC4F8] =	vst v63  }
0x134: {  	_ =	swait.ge [sflag:s30], $0x400  }
0x135: {  	[sflag:s30] =	ssyncset.done $0x0  }
0x136: {  	s31 =	simm.s32 $0xB400;
	[sflag:s30] =	ssyncadd.s32 $0xFFFFFC00  }
0x137: {  	[spmem:s3] =	stream.linear.scatter [tilespmem:s31], [sflag:$0x1], $0x410, $0x38;
	[tilespmem:$0xC4F8] =	vst v63  }
0x138: {  	_ =	swait.ge [sflag:s30], $0x410  }
0x139: {  	[sflag:s30] =	ssyncset.done $0x0  }
0x13a: {  	[sflag:s30] =	ssyncadd.s32 $0xFFFFFBF0  }
.LBB2_12:
0x13b: {  	[bflag:$0x0] =	sbarrier.arrive $0xFFFF;
	s4 =	simm.s32 $0xABE0;
	s31 =	simm.s32 $0x1  }
0x13c: {  	[tilespmem:s4], [sflag:$0x1] =	stream.linear.gather [spmem:s3], $0x410, $0x38;
	[tilespmem:$0xC4F8] =	vst v63  }
0x13d: {  	_ =	swait.ge [sflag:s31], $0x410  }
0x13e: {  	[sflag:s31] =	ssyncset.done $0x0  }
0x13f: {  	s3 =	simm.s32 $0x0;
	[sflag:s31] =	ssyncadd.s32 $0xFFFFFBF0  }
0x140: {  	v0 =	vld [tilespmem:s3+$0x3100];
	_ =	sdelay $0x5  }
0x141: {  	v1 =	vld [tilespmem:s3+$0x6200]  }
0x142: {  	v2 =	vld [tilespmem:s3+$0x4980]  }
0x143: {  	v0 =	vld.idx.msk [tilespmem:v0+s4+$0x0], $0xffff;
	_ =	sdelay $0x2  }
0x144: {  	v5 =	vld [tilespmem:s3+$0x0]  }
0x145: {  	v6 =	vld [tilespmem:s3+$0x3110]  }
0x146: {  	v1 =	vmul.f32 $5.000000000e-01, v1;
	v0 =	vmul.f32 v2, v0;
	_ =	sdelay $0x1  }
0x147: {  	v1 =	vmul.f32 v1, v0  }
0x148: {  	v5 =	vadd.f32 v0, v5  }
0x149: {  	v0 =	vmul.f32 v1, v0  }
0x14a: {  	v3 =	vld [tilespmem:s3+$0x6210];
	[tilespmem:s3+$0x7A80] =	vst v5  }
0x14b: {  	v1 =	vld [tilespmem:s3+$0x4990];
	[tilespmem:s3+$0x9300] =	vst v0  }
0x14c: {  	v0 =	vld.idx.msk [tilespmem:v6+s4+$0x0], $0xffff;
	_ =	sdelay $0x2  }
0x14d: {  	v5 =	vld [tilespmem:s3+$0x10]  }
0x14e: {  	v6 =	vld [tilespmem:s3+$0x3120]  }
0x14f: {  	v0 =	vmul.f32 v1, v0;
	v1 =	vmul.f32 $5.000000000e-01, v3;
	_ =	sdelay $0x1  }
0x150: {  	v1 =	vmul.f32 v1, v0  }
0x151: {  	v3 =	vadd.f32 v0, v5  }
0x152: {  	v0 =	vmul.f32 v1, v0  }
0x153: {  	v4 =	vld [tilespmem:s3+$0x6220];
	[tilespmem:s3+$0x7A90] =	vst v3  }
0x154: {  	v1 =	vld [tilespmem:s3+$0x49A0];
	[tilespmem:s3+$0x9310] =	vst v0  }
0x155: {  	v0 =	vld.idx.msk [tilespmem:v6+s4+$0x0], $0xffff;
	_ =	sdelay $0x2  }
0x156: {  	v3 =	vld [tilespmem:s3+$0x20]  }
0x157: {  	v5 =	vld [tilespmem:s3+$0x3130]  }
0x158: {  	v0 =	vmul.f32 v1, v0;
	v1 =	vmul.f32 $5.000000000e-01, v4;
	_ =	sdelay $0x1  }
0x159: {  	v1 =	vmul.f32 v1, v0  }
0x15a: {  	v3 =	vadd.f32 v0, v3  }
0x15b: {  	v0 =	vmul.f32 v1, v0  }
0x15c: {  	v7 =	vld [tilespmem:s3+$0x6230];
	[tilespmem:s3+$0x7AA0] =	vst v3  }
0x15d: {  	v1 =	vld [tilespmem:s3+$0x49B0];
	[tilespmem:s3+$0x9320] =	vst v0  }
0x15e: {  	v0 =	vld.idx.msk [tilespmem:v5+s4+$0x0], $0xffff;
	_ =	sdelay $0x2  }
0x15f: {  	v3 =	vld [tilespmem:s3+$0x30]  }
0x160: {  	v4 =	vld [tilespmem:s3+$0x3140]  }
0x161: {  	v0 =	vmul.f32 v1, v0;
	v1 =	vmul.f32 $5.000000000e-01, v7;
	_ =	sdelay $0x1  }
0x162: {  	v1 =	vmul.f32 v1, v0  }
0x163: {  	v3 =	vadd.f32 v0, v3  }
0x164: {  	v0 =	vmul.f32 v1, v0  }
0x165: {  	v2 =	vld [tilespmem:s3+$0x6240];
	[tilespmem:s3+$0x7AB0] =	vst v3  }
0x166: {  	v1 =	vld [tilespmem:s3+$0x49C0];
	[tilespmem:s3+$0x9330] =	vst v0  }
0x167: {  	v0 =	vld.idx.msk [tilespmem:v4+s4+$0x0], $0xffff;
	_ =	sdelay $0x2  }
0x168: {  	v3 =	vld [tilespmem:s3+$0x40]  }
0x169: {  	v4 =	vld [tilespmem:s3+$0x3150]  }
0x16a: {  	v0 =	vmul.f32 v1, v0;
	v1 =	vmul.f32 $5.000000000e-01, v2;
	_ =	sdelay $0x1  }
0x16b: {  	v1 =	vmul.f32 v1, v0  }
0x16c: {  	v2 =	vadd.f32 v0, v3  }
0x16d: {  	v0 =	vmul.f32 v1, v0  }
0x16e: {  	v8 =	vld [tilespmem:s3+$0x6250];
	[tilespmem:s3+$0x7AC0] =	vst v2  }
0x16f: {  	v1 =	vld [tilespmem:s3+$0x49D0];
	[tilespmem:s3+$0x9340] =	vst v0  }
0x170: {  	v0 =	vld.idx.msk [tilespmem:v4+s4+$0x0], $0xffff;
	_ =	sdelay $0x2  }
0x171: {  	v2 =	vld [tilespmem:s3+$0x50]  }
0x172: {  	v3 =	vld [tilespmem:s3+$0x3160]  }
0x173: {  	v0 =	vmul.f32 v1, v0;
	v1 =	vmul.f32 $5.000000000e-01, v8;
	_ =	sdelay $0x1  }
0x174: {  	v1 =	vmul.f32 v1, v0  }
0x175: {  	v2 =	vadd.f32 v0, v2  }
0x176: {  	v0 =	vmul.f32 v1, v0  }
0x177: {  	v9 =	vld [tilespmem:s3+$0x6260];
	[tilespmem:s3+$0x7AD0] =	vst v2  }
0x178: {  	v1 =	vld [tilespmem:s3+$0x49E0];
	[tilespmem:s3+$0x9350] =	vst v0  }
0x179: {  	v0 =	vld.idx.msk [tilespmem:v3+s4+$0x0], $0xffff;
	_ =	sdelay $0x2  }
0x17a: {  	v2 =	vld [tilespmem:s3+$0x60]  }
0x17b: {  	v3 =	vld [tilespmem:s3+$0x3170]  }
0x17c: {  	v0 =	vmul.f32 v1, v0;
	v1 =	vmul.f32 $5.000000000e-01, v9;
	_ =	sdelay $0x1  }
0x17d: {  	v1 =	vmul.f32 v1, v0  }
0x17e: {  	v2 =	vadd.f32 v0, v2  }
0x17f: {  	v0 =	vmul.f32 v1, v0  }
0x180: {  	v10 =	vld [tilespmem:s3+$0x6270];
	[tilespmem:s3+$0x7AE0] =	vst v2  }
0x181: {  	v1 =	vld [tilespmem:s3+$0x49F0];
	[tilespmem:s3+$0x9360] =	vst v0  }
0x182: {  	v0 =	vld.idx.msk [tilespmem:v3+s4+$0x0], $0xffff;
	_ =	sdelay $0x1  }
0x183: {  	v2 =	vld [tilespmem:s3+$0x70]  }
0x184: {  	s7 =	simm.s32 $0x80  }
0x185: {  	v8 =	vld [tilespmem:s7+$0x3100]  }
0x186: {  	v7 =	vld [tilespmem:s7+$0x6200];
	v0 =	vmul.f32 v1, v0;
	v1 =	vmul.f32 $5.000000000e-01, v10  }
0x187: {  	v6 =	vld [tilespmem:s7+$0x6210]  }
0x188: {  	v5 =	vld [tilespmem:s7+$0x6220];
	v2 =	vadd.f32 v0, v2;
	v3 =	vmul.f32 v1, v0  }
0x189: {  	v4 =	vld [tilespmem:s7+$0x6230]  }
0x18a: {  	v1 =	vld [tilespmem:s7+$0x6240];
	[tilespmem:s3+$0x7AF0] =	vst v2;
	v2 =	vmul.f32 v3, v0  }
0x18b: {  	s5 =	simm.s32 $0x400;
	v0 =	vld [tilespmem:s7+$0x6250]  }
.LBB2_13:
0x18c: {  	p1 =	sne.s32 s5, $0x6000;
	v3 =	vld [tilespmem:s7+$0x6260];
	[tilespmem:s3+$0x9370] =	vst v2;
	s6 =	smov.u32 s5;
	s5 =	sadd.s32 $0x200, s5  }
0x18d: {  	s3 =	smov.u32 s7;
	v8 =	vld.idx.msk [tilespmem:v8+s4+$0x0], $0xffff  }
0x18e: {  	v9 =	vld [tilespmem:s3+$0x4980]  }
0x18f: {  	v2 =	vld [tilespmem:s3+$0x6270]  }
0x190: {  	v10 =	vld [tilespmem:s3+$0x0];
	_ =	sdelay $0x1  }
0x191: {  	v11 =	vld [tilespmem:s3+$0x3110]  }
0x192: {  	v7 =	vmul.f32 $5.000000000e-01, v7;
	v8 =	vmul.f32 v9, v8;
	_ =	sdelay $0x1  }
0x193: {  	v9 =	vadd.f32 v8, v10;
	v7 =	vmul.f32 v7, v8;
	_ =	sdelay $0x1  }
0x194: {  	v7 =	vmul.f32 v7, v8  }
0x195: {  	[tilespmem:s3+$0x7A80] =	vst v9  }
0x196: {  	[tilespmem:s3+$0x9300] =	vst v7  }
0x197: {  	v7 =	vld.idx.msk [tilespmem:v11+s4+$0x0], $0xffff  }
0x198: {  	v8 =	vld [tilespmem:s3+$0x4990];
	_ =	sdelay $0x1  }
0x199: {  	v9 =	vld [tilespmem:s3+$0x10];
	_ =	sdelay $0x1  }
0x19a: {  	v10 =	vld [tilespmem:s3+$0x3120]  }
0x19b: {  	v6 =	vmul.f32 $5.000000000e-01, v6;
	v7 =	vmul.f32 v8, v7;
	_ =	sdelay $0x1  }
0x19c: {  	v8 =	vadd.f32 v7, v9;
	v6 =	vmul.f32 v6, v7;
	_ =	sdelay $0x1  }
0x19d: {  	v6 =	vmul.f32 v6, v7  }
0x19e: {  	[tilespmem:s3+$0x7A90] =	vst v8  }
0x19f: {  	[tilespmem:s3+$0x9310] =	vst v6  }
0x1a0: {  	v6 =	vld.idx.msk [tilespmem:v10+s4+$0x0], $0xffff  }
0x1a1: {  	v7 =	vld [tilespmem:s3+$0x49A0];
	_ =	sdelay $0x1  }
0x1a2: {  	v8 =	vld [tilespmem:s3+$0x20];
	_ =	sdelay $0x1  }
0x1a3: {  	v9 =	vld [tilespmem:s3+$0x3130]  }
0x1a4: {  	v5 =	vmul.f32 $5.000000000e-01, v5;
	v6 =	vmul.f32 v7, v6;
	_ =	sdelay $0x1  }
0x1a5: {  	v7 =	vadd.f32 v6, v8;
	v5 =	vmul.f32 v5, v6;
	_ =	sdelay $0x1  }
0x1a6: {  	v5 =	vmul.f32 v5, v6  }
0x1a7: {  	[tilespmem:s3+$0x7AA0] =	vst v7  }
0x1a8: {  	[tilespmem:s3+$0x9320] =	vst v5  }
0x1a9: {  	v5 =	vld.idx.msk [tilespmem:v9+s4+$0x0], $0xffff  }
0x1aa: {  	v6 =	vld [tilespmem:s3+$0x49B0];
	_ =	sdelay $0x1  }
0x1ab: {  	v7 =	vld [tilespmem:s3+$0x30];
	_ =	sdelay $0x1  }
0x1ac: {  	v8 =	vld [tilespmem:s3+$0x3140]  }
0x1ad: {  	v4 =	vmul.f32 $5.000000000e-01, v4;
	v5 =	vmul.f32 v6, v5;
	_ =	sdelay $0x1  }
0x1ae: {  	v6 =	vadd.f32 v5, v7;
	v4 =	vmul.f32 v4, v5;
	_ =	sdelay $0x1  }
0x1af: {  	[tilespmem:s3+$0x7AB0] =	vst v6;
	v4 =	vmul.f32 v4, v5;
	_ =	sdelay $0x1  }
0x1b0: {  	[tilespmem:s3+$0x9330] =	vst v4  }
0x1b1: {  	v4 =	vld.idx.msk [tilespmem:v8+s4+$0x0], $0xffff  }
0x1b2: {  	v5 =	vld [tilespmem:s3+$0x49C0];
	_ =	sdelay $0x1  }
0x1b3: {  	v6 =	vld [tilespmem:s3+$0x40];
	_ =	sdelay $0x1  }
0x1b4: {  	v7 =	vld [tilespmem:s3+$0x3150]  }
0x1b5: {  	v1 =	vmul.f32 $5.000000000e-01, v1;
	v4 =	vmul.f32 v5, v4;
	_ =	sdelay $0x1  }
0x1b6: {  	v5 =	vadd.f32 v4, v6;
	v1 =	vmul.f32 v1, v4;
	_ =	sdelay $0x1  }
0x1b7: {  	[tilespmem:s3+$0x7AC0] =	vst v5;
	v1 =	vmul.f32 v1, v4;
	_ =	sdelay $0x1  }
0x1b8: {  	[tilespmem:s3+$0x9340] =	vst v1  }
0x1b9: {  	v1 =	vld.idx.msk [tilespmem:v7+s4+$0x0], $0xffff  }
0x1ba: {  	v4 =	vld [tilespmem:s3+$0x49D0];
	_ =	sdelay $0x1  }
0x1bb: {  	v5 =	vld [tilespmem:s3+$0x50];
	_ =	sdelay $0x1  }
0x1bc: {  	v6 =	vld [tilespmem:s3+$0x3160]  }
0x1bd: {  	v0 =	vmul.f32 $5.000000000e-01, v0;
	v1 =	vmul.f32 v4, v1;
	_ =	sdelay $0x1  }
0x1be: {  	v4 =	vadd.f32 v1, v5;
	v0 =	vmul.f32 v0, v1;
	_ =	sdelay $0x1  }
0x1bf: {  	[tilespmem:s3+$0x7AD0] =	vst v4;
	v0 =	vmul.f32 v0, v1;
	_ =	sdelay $0x1  }
0x1c0: {  	[tilespmem:s3+$0x9350] =	vst v0  }
0x1c1: {  	v0 =	vld.idx.msk [tilespmem:v6+s4+$0x0], $0xffff  }
0x1c2: {  	v1 =	vld [tilespmem:s3+$0x49E0];
	_ =	sdelay $0x1  }
0x1c3: {  	v4 =	vld [tilespmem:s3+$0x60];
	_ =	sdelay $0x1  }
0x1c4: {  	v5 =	vld [tilespmem:s3+$0x3170]  }
0x1c5: {  	v0 =	vmul.f32 v1, v0;
	v1 =	vmul.f32 $5.000000000e-01, v3;
	_ =	sdelay $0x1  }
0x1c6: {  	v3 =	vadd.f32 v0, v4;
	v1 =	vmul.f32 v1, v0;
	_ =	sdelay $0x1  }
0x1c7: {  	[tilespmem:s3+$0x7AE0] =	vst v3;
	v0 =	vmul.f32 v1, v0;
	_ =	sdelay $0x1  }
0x1c8: {  	[tilespmem:s3+$0x9360] =	vst v0  }
0x1c9: {  	v0 =	vld.idx.msk [tilespmem:v5+s4+$0x0], $0xffff  }
0x1ca: {  	v1 =	vld [tilespmem:s3+$0x49F0];
	_ =	sdelay $0x1  }
0x1cb: {  	v3 =	vld [tilespmem:s3+$0x70]  }
0x1cc: {  	s7 =	sshra.s32 s6, $0x2  }
0x1cd: {  	v8 =	vld [tilespmem:s7+$0x3100]  }
0x1ce: {  	v7 =	vld [tilespmem:s7+$0x6200];
	v0 =	vmul.f32 v1, v0;
	v1 =	vmul.f32 $5.000000000e-01, v2  }
.Ltmp6:
0x1cf: {  	v6 =	vld [tilespmem:s7+$0x6210];
	(pc) =	sbr.rel @p1 .LBB2_13-.Ltmp6, $4  }
0x1d0: {  	v5 =	vld [tilespmem:s7+$0x6220];
	v2 =	vadd.f32 v0, v3;
	v3 =	vmul.f32 v1, v0  }
0x1d1: {  	v4 =	vld [tilespmem:s7+$0x6230]  }
0x1d2: {  	v1 =	vld [tilespmem:s7+$0x6240];
	[tilespmem:s3+$0x7AF0] =	vst v2;
	v2 =	vmul.f32 v3, v0  }
0x1d3: {  	v0 =	vld [tilespmem:s7+$0x6250]  }
0x1d4: {  	_ =	sdelay $0x2  }
0x1d5: {  	v3 =	vld [tilespmem:s7+$0x6260];
	[tilespmem:s3+$0x9370] =	vst v2  }
0x1d6: {  	v2 =	vld.idx.msk [tilespmem:v8+s4+$0x0], $0xffff  }
0x1d7: {  	v40 =	vld [tilespmem:s7+$0x4980];
	_ =	sdelay $0x2  }
0x1d8: {  	v9 =	vld [tilespmem:s7+$0x0]  }
0x1d9: {  	v10 =	vld [tilespmem:s7+$0x3110]  }
0x1da: {  	v7 =	vmul.f32 $5.000000000e-01, v7;
	v2 =	vmul.f32 v40, v2;
	_ =	sdelay $0x1  }
0x1db: {  	v7 =	vmul.f32 v7, v2  }
0x1dc: {  	v8 =	vadd.f32 v2, v9  }
0x1dd: {  	v2 =	vmul.f32 v7, v2  }
0x1de: {  	[tilespmem:s7+$0x7A80] =	vst v8  }
0x1df: {  	v42 =	vld [tilespmem:s7+$0x4990];
	[tilespmem:s7+$0x9300] =	vst v2  }
0x1e0: {  	v2 =	vld.idx.msk [tilespmem:v10+s4+$0x0], $0xffff;
	_ =	sdelay $0x2  }
0x1e1: {  	v43 =	vld [tilespmem:s7+$0x10]  }
0x1e2: {  	v44 =	vld [tilespmem:s7+$0x3120]  }
0x1e3: {  	v6 =	vmul.f32 $5.000000000e-01, v6;
	v2 =	vmul.f32 v42, v2;
	_ =	sdelay $0x1  }
0x1e4: {  	v6 =	vmul.f32 v6, v2  }
0x1e5: {  	v7 =	vadd.f32 v2, v43  }
0x1e6: {  	v2 =	vmul.f32 v6, v2  }
0x1e7: {  	[tilespmem:s7+$0x7A90] =	vst v7  }
0x1e8: {  	v45 =	vld [tilespmem:s7+$0x49A0];
	[tilespmem:s7+$0x9310] =	vst v2  }
0x1e9: {  	v2 =	vld.idx.msk [tilespmem:v44+s4+$0x0], $0xffff;
	_ =	sdelay $0x2  }
0x1ea: {  	v46 =	vld [tilespmem:s7+$0x20]  }
0x1eb: {  	v47 =	vld [tilespmem:s7+$0x3130]  }
0x1ec: {  	v5 =	vmul.f32 $5.000000000e-01, v5;
	v2 =	vmul.f32 v45, v2;
	_ =	sdelay $0x1  }
0x1ed: {  	v5 =	vmul.f32 v5, v2  }
0x1ee: {  	v6 =	vadd.f32 v2, v46  }
0x1ef: {  	v2 =	vmul.f32 v5, v2  }
0x1f0: {  	[tilespmem:s7+$0x7AA0] =	vst v6  }
0x1f1: {  	v48 =	vld [tilespmem:s7+$0x49B0];
	[tilespmem:s7+$0x9320] =	vst v2  }
0x1f2: {  	v2 =	vld.idx.msk [tilespmem:v47+s4+$0x0], $0xffff;
	_ =	sdelay $0x2  }
0x1f3: {  	v49 =	vld [tilespmem:s7+$0x30]  }
0x1f4: {  	v50 =	vld [tilespmem:s7+$0x3140]  }
0x1f5: {  	v4 =	vmul.f32 $5.000000000e-01, v4;
	v2 =	vmul.f32 v48, v2;
	_ =	sdelay $0x1  }
0x1f6: {  	v4 =	vmul.f32 v4, v2  }
0x1f7: {  	v5 =	vadd.f32 v2, v49  }
0x1f8: {  	v2 =	vmul.f32 v4, v2  }
0x1f9: {  	[tilespmem:s7+$0x7AB0] =	vst v5  }
0x1fa: {  	v51 =	vld [tilespmem:s7+$0x49C0];
	[tilespmem:s7+$0x9330] =	vst v2  }
0x1fb: {  	v2 =	vld.idx.msk [tilespmem:v50+s4+$0x0], $0xffff;
	_ =	sdelay $0x2  }
0x1fc: {  	v52 =	vld [tilespmem:s7+$0x40]  }
0x1fd: {  	v53 =	vld [tilespmem:s7+$0x3150]  }
0x1fe: {  	v1 =	vmul.f32 $5.000000000e-01, v1;
	v2 =	vmul.f32 v51, v2;
	_ =	sdelay $0x1  }
0x1ff: {  	v1 =	vmul.f32 v1, v2  }
0x200: {  	v4 =	vadd.f32 v2, v52  }
0x201: {  	v1 =	vmul.f32 v1, v2  }
0x202: {  	[tilespmem:s7+$0x7AC0] =	vst v4  }
0x203: {  	v54 =	vld [tilespmem:s7+$0x49D0];
	[tilespmem:s7+$0x9340] =	vst v1  }
0x204: {  	v1 =	vld.idx.msk [tilespmem:v53+s4+$0x0], $0xffff;
	_ =	sdelay $0x2  }
0x205: {  	v55 =	vld [tilespmem:s7+$0x50]  }
0x206: {  	v56 =	vld [tilespmem:s7+$0x3160]  }
0x207: {  	v0 =	vmul.f32 $5.000000000e-01, v0;
	v1 =	vmul.f32 v54, v1;
	_ =	sdelay $0x1  }
0x208: {  	v0 =	vmul.f32 v0, v1  }
0x209: {  	v2 =	vadd.f32 v1, v55  }
0x20a: {  	v0 =	vmul.f32 v0, v1  }
0x20b: {  	[tilespmem:s7+$0x7AD0] =	vst v2  }
0x20c: {  	v57 =	vld [tilespmem:s7+$0x49E0];
	[tilespmem:s7+$0x9350] =	vst v0  }
0x20d: {  	v0 =	vld.idx.msk [tilespmem:v56+s4+$0x0], $0xffff;
	_ =	sdelay $0x2  }
0x20e: {  	v58 =	vld [tilespmem:s7+$0x60]  }
0x20f: {  	v59 =	vld [tilespmem:s7+$0x3170]  }
0x210: {  	v60 =	vmul.f32 $5.000000000e-01, v3;
	v0 =	vmul.f32 v57, v0;
	_ =	sdelay $0x1  }
0x211: {  	v1 =	vmul.f32 v60, v0  }
0x212: {  	v2 =	vadd.f32 v0, v58  }
0x213: {  	v0 =	vmul.f32 v1, v0  }
0x214: {  	v41 =	vld [tilespmem:s7+$0x6270];
	[tilespmem:s7+$0x7AE0] =	vst v2  }
0x215: {  	v61 =	vld [tilespmem:s7+$0x49F0];
	[tilespmem:s7+$0x9360] =	vst v0  }
0x216: {  	v0 =	vld.idx.msk [tilespmem:v59+s4+$0x0], $0xffff;
	_ =	sdelay $0x2  }
0x217: {  	v62 =	vld [tilespmem:s7+$0x70];
	_ =	sdelay $0x1  }
0x218: {  	v63 =	vmul.f32 $5.000000000e-01, v41;
	v0 =	vmul.f32 v61, v0;
	_ =	sdelay $0x1  }
0x219: {  	v1 =	vmul.f32 v63, v0  }
0x21a: {  	v2 =	vadd.f32 v0, v62  }
0x21b: {  	v0 =	vmul.f32 v1, v0  }
0x21c: {  	[tilespmem:s7+$0x7AF0] =	vst v2  }
0x21d: {  	s28 =	simm.s32 $0x0;
	s29 =	simm.s32 $0x7A80;
	s30 =	simm.s32 $0x1;
	[tilespmem:s7+$0x9370] =	vst v0  }
0x21e: {  	[hbm4b:s2+s28] =	stream.linear.scatter [tilespmem:s29], [sflag:$0x1], $0x1880, $0x38;
	[tilespmem:$0xC4F8] =	vst v63  }
0x21f: {  	_ =	swait.ge [sflag:s30], $0x1880  }
0x220: {  	[sflag:s30] =	ssyncset.done $0x0  }
0x221: {  	s31 =	simm.s32 $0x9300;
	[sflag:s30] =	ssyncadd.s32 $0xFFFFE780  }
0x222: {  	[hbm4b:s1+s28] =	stream.linear.scatter [tilespmem:s31], [sflag:$0x1], $0x1880, $0x38;
	[tilespmem:$0xC4F8] =	vst v63  }
0x223: {  	_ =	swait.ge [sflag:s30], $0x1880  }
0x224: {  	[sflag:s30] =	ssyncset.done $0x0  }
0x225: {  	[sflag:s30] =	ssyncadd.s32 $0xFFFFE780  }
0x226: {  	_ =	sfence.sel $0x180000  }
0x227: {  	[bflag:$0x0] =	sbarrier.arrive $0xFFFF  }
0x228: {  	_ =	strace $0x90000047  }
0x229: {  	s0 =	sadd.s32 @!p0 $0x100000, s0;
	[bflag:$0x2] =	sbarrier.arrive $0xFFFF  }
0x22a: {  	[sflag:s0] =	ssyncadd.tile.s32 @!p0 $0x1;
	_ =	shalt  }
.Lfunc_end2:
_tile_overlayer_lowered:
.L_overlay_start_2:
0x22b: {  	(tag) =	ssettag $0x2  }
0x22c: {  	s0 =	rddreg [dreg:$0x0];
	s2 =	stileid.u32  }
0x22d: {  	s1 =	rddreg [dreg:$0x1];
	p0 =	sne.s32 s2, $0x0  }
0x22e: {  	s3 =	rddreg [dreg:$0x2];
	[bflag:$0x3] =	sbarrier.arrive $0xFFFF;
	s2 =	simm.s32 @!p0 $0x1C01  }
0x22f: {  	[timem:s3], [sflag:s2] =	dma.local @!p0 [hbm:s0], s1  }
0x230: {  	s0 =	simm.s32 @!p0 $0x1  }
0x231: {  	_ =	swait.ge @!p0 [sflag:s0], s1  }
0x232: {  	s1 =	ssub.s32 @!p0 $0x0, s1;
	[sflag:s0] =	ssyncset.done @!p0 $0x0  }
0x233: {  	[sflag:s0] =	ssyncadd.s32 @!p0 s1  }
0x234: {  	[bflag:$0x3] =	sbarrier.arrive $0xFFFF  }
0x235: {  	_ =	shalt  }

</sc_bundles>
